<compile_context>
chip_gen: v7x
topology: tpu7x:2x2x1
jax: 0.10.2.dev20260603
libtpu: 0.0.44.dev20260713+nightly
codegen_flags: <defaults>
</compile_context>

<pallas_src>
import math
import functools

import jax
import jax.numpy as jnp
from jax import lax
from jax.experimental import pallas as pl
from jax.experimental.pallas import tpu as pltpu
from jax.experimental.pallas import tpu_sc as plsc

_T = 512
_E = 16
_CAP = int(math.ceil(_T / _E * 1.05))
_CAPP = 40
_S = _E * _CAPP
_BUFROWS = _S + _CAPP
_GROWS = _S + _CAPP * 2
_DUMP = _S
_NW = 32
_TPT = _T // _NW



def _router_body(x_ref, wg_ref, slot_ref, slotc_ref, gs_ref):
    x = x_ref[...]
    T = x.shape[0]
    E = wg_ref.shape[1]
    logits = jnp.dot(x.astype(jnp.bfloat16), wg_ref[...].astype(jnp.bfloat16),
                     preferred_element_type=jnp.float32)
    m = jnp.max(logits, axis=-1, keepdims=True)
    ex = jnp.exp(logits - m)
    probs = ex / jnp.sum(ex, axis=-1, keepdims=True)
    g = jnp.max(probs, axis=-1)
    e_idx = jnp.argmax(probs, axis=-1).astype(jnp.int32)

    iota_e = jax.lax.broadcasted_iota(jnp.int32, (T, E), 1)
    oh = (iota_e == e_idx[:, None]).astype(jnp.float32)
    c = oh
    k = 1
    while k < T:
        c = c + jnp.concatenate(
            [jnp.zeros((k, E), jnp.float32), c[:-k]], axis=0)
        k *= 2
    pos = jnp.sum(c * oh, axis=-1).astype(jnp.int32) - 1
    keep = pos < _CAP
    slot = jnp.where(keep, e_idx * _CAPP + pos, _DUMP)
    slot_ref[...] = slot
    slotc_ref[...] = jnp.minimum(slot, _S - 1)

    row_iota = jax.lax.broadcasted_iota(jnp.int32, (_GROWS, T), 0)
    P = (row_iota == slot[None, :]).astype(jnp.bfloat16)
    g16 = jnp.broadcast_to(g[:, None], (T, 16))
    gh = g16.astype(jnp.bfloat16)
    gl = (g16 - gh.astype(jnp.float32)).astype(jnp.bfloat16)
    gs_ref[...] = (jnp.dot(P, gh, preferred_element_type=jnp.float32)
                   + jnp.dot(P, gl, preferred_element_type=jnp.float32))



def _dispatch_body(slot_hbm, x_hbm, buf_hbm, slot_v, xv_v, sem):
    w = lax.axis_index("s") * 2 + lax.axis_index("c")
    pltpu.sync_copy(x_hbm.at[pl.ds(w * _TPT, _TPT)], xv_v)
    pltpu.sync_copy(slot_hbm.at[pl.ds(w * _TPT, _TPT)], slot_v)
    pltpu.async_copy(xv_v, buf_hbm.at[slot_v], sem).wait()



def _combine_body(y_hbm, slotc_hbm, out_hbm, sv_v, rows_v, sem):
    w = lax.axis_index("s") * 2 + lax.axis_index("c")
    pltpu.sync_copy(slotc_hbm.at[pl.ds(w * _TPT, _TPT)], sv_v)
    pltpu.async_copy(y_hbm.at[sv_v], rows_v, sem).wait()
    pltpu.sync_copy(rows_v, out_hbm.at[pl.ds(w * _TPT, _TPT)])



def _ffn_body(nf, buf_ref, w1_ref, b1_ref, w2_ref, b2_ref, g_ref, y_ref):
    f = pl.program_id(1)
    a = buf_ref[...]
    h = jnp.dot(a, w1_ref[0], preferred_element_type=jnp.float32) + b1_ref[0]
    h = jax.nn.gelu(h)
    contrib = jnp.dot(h, w2_ref[0], preferred_element_type=jnp.float32)

    @pl.when(f == 0)
    def _():
        y_ref[...] = contrib + b2_ref[0]

    @pl.when(f > 0)
    def _():
        y_ref[...] += contrib

    @pl.when(f == nf - 1)
    def _():
        gcol = g_ref[:, 0:1]
        y = y_ref[...]
        y_ref[...] = jnp.where(gcol > 0.0, y * gcol, 0.0)



def kernel(x, Wg, W1, b1, W2, b2):
    T, D = x.shape
    E = Wg.shape[1]
    F = W1.shape[2]
    FB = 1536
    nf = F // FB

    slot, slotc, gslot = pl.pallas_call(
        _router_body,
        out_shape=(
            jax.ShapeDtypeStruct((T,), jnp.int32),
            jax.ShapeDtypeStruct((T,), jnp.int32),
            jax.ShapeDtypeStruct((_GROWS, 16), jnp.float32),
        ),
    )(x, Wg)

    dispatch = pl.kernel(
        _dispatch_body,
        out_type=jax.ShapeDtypeStruct((_BUFROWS, D), jnp.float32),
        mesh=plsc.VectorSubcoreMesh(core_axis_name="c", subcore_axis_name="s",
                                    num_cores=2, num_subcores=16),
        scratch_types=[
            pltpu.VMEM((_TPT,), jnp.int32),
            pltpu.VMEM((_TPT, D), jnp.float32),
            pltpu.SemaphoreType.DMA,
        ],
    )
    buf = dispatch(slot, x)

    y = pl.pallas_call(
        functools.partial(_ffn_body, nf),
        grid=(E, nf),
        in_specs=[
            pl.BlockSpec((_CAPP, D), lambda e, f: (e, 0)),
            pl.BlockSpec((1, D, FB), lambda e, f: (e, 0, f)),
            pl.BlockSpec((1, 1, FB), lambda e, f: (e, 0, f)),
            pl.BlockSpec((1, FB, D), lambda e, f: (e, f, 0)),
            pl.BlockSpec((1, 1, D), lambda e, f: (e, 0, 0)),
            pl.BlockSpec((_CAPP, 16), lambda e, f: (e, 0)),
        ],
        out_specs=pl.BlockSpec((_CAPP, D), lambda e, f: (e, 0)),
        out_shape=jax.ShapeDtypeStruct((_S, D), jnp.float32),
    )(buf, W1, b1.reshape(E, 1, F), W2, b2.reshape(E, 1, D), gslot)

    combine = pl.kernel(
        _combine_body,
        out_type=jax.ShapeDtypeStruct((T, D), jnp.float32),
        mesh=plsc.VectorSubcoreMesh(core_axis_name="c", subcore_axis_name="s",
                                    num_cores=2, num_subcores=16),
        scratch_types=[
            pltpu.VMEM((_TPT,), jnp.int32),
            pltpu.VMEM((_TPT, D), jnp.float32),
            pltpu.SemaphoreType.DMA,
        ],
    )
    return combine(y, slotc)

# --- scband reference (transcript-rebuilt; emitter-appended) ---
"""Pipeline reference for scband-vi-tmoe-38543036514932 (READ-ONLY COPY).

The authoritative reference and input builder live on the scoring server;
editing this copy changes nothing except your own understanding.
"""

import jax, jax.numpy as jnp
import numpy as np
import math

T = 512      # tokens (batch=128 * q_len=4)
D = 768      # hidden_size (ViT-base)
F = 3072     # intermediate_size
E = 16       # num_experts
K = 1        # top_k
CAP_RATIO = 1.05


def setup_inputs(seed: int = 0) -> dict:
    key = jax.random.key(seed)
    ks = jax.random.split(key, 5)
    x = jax.random.normal(ks[0], (T, D), dtype=jnp.float32)
    Wg = jax.random.normal(ks[1], (D, E), dtype=jnp.float32) * (1.0 / math.sqrt(D))
    W1 = jax.random.normal(ks[2], (E, D, F), dtype=jnp.float32) * (1.0 / math.sqrt(D))
    b1 = jnp.zeros((E, F), dtype=jnp.float32)
    W2 = jax.random.normal(ks[3], (E, F, D), dtype=jnp.float32) * (1.0 / math.sqrt(F))
    b2 = jnp.zeros((E, D), dtype=jnp.float32)
    return {"x": x, "Wg": Wg, "W1": W1, "b1": b1, "W2": W2, "b2": b2}


def reference(x, Wg, W1, b1, W2, b2):
    # Faithful jax translation of MoeFFN.forward -> SparseMoE with top-1
    # routing, per-expert capacity (tokens over capacity are dropped),
    # dispatch (scatter-add), per-expert FFN (GELU), and weighted combine.
    T_, D_ = x.shape
    E_ = Wg.shape[1]
    cap = int(math.ceil(T_ * K / E_ * CAP_RATIO))

    # --- router ---
    logits = x @ Wg                                   # [T, E]
    probs = jax.nn.softmax(logits, axis=-1)
    gate, eidx = jax.lax.top_k(probs, K)              # [T, K]
    e = eidx[:, 0]                                    # [T] expert id per token
    g = gate[:, 0]                                    # [T] gate value per token

    # --- auxiliary load-balancing loss (stored, not returned, by MoeFFN) ---
    one_hot = jax.nn.one_hot(e, E_, dtype=x.dtype)    # [T, E]
    mean_prob = probs.mean(axis=0)
    frac_tokens = one_hot.mean(axis=0)
    aux_loss = E_ * jnp.sum(mean_prob * frac_tokens)
    del aux_loss  # MoeFFN.forward returns only `out`

    # --- capacity bookkeeping: position of each token within its expert ---
    pos = (jnp.cumsum(one_hot, axis=0) * one_hot).sum(axis=-1).astype(jnp.int32) - 1
    keep = (pos >= 0) & (pos < cap)                   # [T]
    pos_c = jnp.clip(pos, 0, cap - 1)

    # --- dispatch: scatter tokens into per-expert buffers ---
    disp = jnp.where(keep[:, None], x, 0.0)
    buf = jnp.zeros((E_, cap, D_), dtype=x.dtype).at[e, pos_c].add(disp)

    # --- expert FFN ---
    h = jax.nn.gelu(jnp.einsum('ecd,edf->ecf', buf, W1) + b1[:, None, :])
    y = jnp.einsum('ecf,efd->ecd', h, W2) + b2[:, None, :]

    # --- combine: gather back and weight by gate; dropped tokens -> 0 ---
    out = y[e, pos_c] * g[:, None] * keep[:, None].astype(x.dtype)
    return out

if __name__ == "__main__":
    import jax
    _d = setup_inputs()
    print(jax.jit(kernel)(*tuple(_d.values())))

</pallas_src>

<mosaic_0001>
#map = affine_map<(d0, d1) -> (0)>
#map1 = affine_map<(d0, d1) -> (0, 0)>
module attributes {stable_mosaic.version = 14 : i64} {
  func.func @_dispatch_body(%arg0: i32, %arg1: i32, %arg2: memref<512xi32, #tpu.memory_space<hbm>>, %arg3: memref<512x768xf32, #tpu.memory_space<hbm>>, %arg4: memref<680x768xf32, #tpu.memory_space<hbm>>, %arg5: memref<16xi32, #tpu.memory_space<vmem>>, %arg6: memref<16x768xf32, #tpu.memory_space<vmem>>, %arg7: memref<!tpu.dma_semaphore, #tpu.memory_space<semaphore_mem>>) attributes {dimension_semantics = [#tpu.dimension_semantics<core_parallel>, #tpu.dimension_semantics<subcore_parallel>], iteration_bounds = array<i64: 2, 16>, scalar_prefetch = 0 : i64, scratch_operands = 3 : i64, tpu.core_type = #tpu.core_type<sc_vector_subcore>, window_params = [{transform_indices = #map}, {transform_indices = #map1}, {transform_indices = #map1}]} {
    %mul3A = arith.constant 2 : i32
    %mul3A_0 = arith.muli %arg1, %mul3A : i32
    %add3A = arith.addi %mul3A_0, %arg0 : i32
    %mul3A_1 = arith.constant 16 : i32
    %mul3A_2 = arith.muli %add3A, %mul3A_1 : i32
    "tpu.region"() ({
      %run_scoped3A = tpu.sem_alloc : memref<!tpu.dma_semaphore, #tpu.memory_space<semaphore_mem>>
      %dma_start3A_9 = arith.constant 0 : i32
      %dma_start3A_10 = tpu.memref_slice %arg3[%mul3A_2, %dma_start3A_9] : memref<512x768xf32, #tpu.memory_space<hbm>> -> memref<16x768xf32, #tpu.memory_space<hbm>>
      %dma_start3A_11 = arith.constant 0 : i32
      %dma_start3A_12 = tpu.memref_slice %arg3[%mul3A_2, %dma_start3A_11] : memref<512x768xf32, #tpu.memory_space<hbm>> -> memref<16x768xf32, #tpu.memory_space<hbm>>
      tpu.enqueue_dma source(%dma_start3A_12 : memref<16x768xf32, #tpu.memory_space<hbm>>) target(%arg6 : memref<16x768xf32, #tpu.memory_space<vmem>>) target_semaphore(%run_scoped3A : memref<!tpu.dma_semaphore, #tpu.memory_space<semaphore_mem>>)
      %dma_wait3A_13 = arith.constant 0 : i32
      %dma_wait3A_14 = tpu.memref_slice %arg3[%mul3A_2, %dma_wait3A_13] : memref<512x768xf32, #tpu.memory_space<hbm>> -> memref<16x768xf32, #tpu.memory_space<hbm>>
      %dma_wait3A_15 = arith.constant 0 : i32
      %dma_wait3A_16 = tpu.memref_slice %arg3[%mul3A_2, %dma_wait3A_15] : memref<512x768xf32, #tpu.memory_space<hbm>> -> memref<16x768xf32, #tpu.memory_space<hbm>>
      tpu.wait_dma2 semaphore(%run_scoped3A : memref<!tpu.dma_semaphore, #tpu.memory_space<semaphore_mem>>) src(%dma_wait3A_16 : memref<16x768xf32, #tpu.memory_space<hbm>>) dst(%arg6 : memref<16x768xf32, #tpu.memory_space<vmem>>)
      tpu.yield
    }) : () -> ()
    %mul3A_3 = arith.constant 16 : i32
    %mul3A_4 = arith.muli %add3A, %mul3A_3 : i32
    "tpu.region"() ({
      %run_scoped3A = tpu.sem_alloc : memref<!tpu.dma_semaphore, #tpu.memory_space<semaphore_mem>>
      %dma_start3A_9 = tpu.memref_slice %arg2[%mul3A_4] : memref<512xi32, #tpu.memory_space<hbm>> -> memref<16xi32, #tpu.memory_space<hbm>>
      %dma_start3A_10 = tpu.memref_slice %arg2[%mul3A_4] : memref<512xi32, #tpu.memory_space<hbm>> -> memref<16xi32, #tpu.memory_space<hbm>>
      tpu.enqueue_dma source(%dma_start3A_10 : memref<16xi32, #tpu.memory_space<hbm>>) target(%arg5 : memref<16xi32, #tpu.memory_space<vmem>>) target_semaphore(%run_scoped3A : memref<!tpu.dma_semaphore, #tpu.memory_space<semaphore_mem>>)
      %dma_wait3A_11 = tpu.memref_slice %arg2[%mul3A_4] : memref<512xi32, #tpu.memory_space<hbm>> -> memref<16xi32, #tpu.memory_space<hbm>>
      %dma_wait3A_12 = tpu.memref_slice %arg2[%mul3A_4] : memref<512xi32, #tpu.memory_space<hbm>> -> memref<16xi32, #tpu.memory_space<hbm>>
      tpu.wait_dma2 semaphore(%run_scoped3A : memref<!tpu.dma_semaphore, #tpu.memory_space<semaphore_mem>>) src(%dma_wait3A_12 : memref<16xi32, #tpu.memory_space<hbm>>) dst(%arg5 : memref<16xi32, #tpu.memory_space<vmem>>)
      tpu.yield
    }) : () -> ()
    %dma_start3A = arith.constant 0 : i32
    %dma_start3A_5 = arith.constant 0 : i32
    %dma_start3A_6 = tpu.memref_slice %arg4[%dma_start3A, %dma_start3A_5] : memref<680x768xf32, #tpu.memory_space<hbm>> -> memref<680x768xf32, #tpu.memory_space<hbm>>
    tpu.enqueue_indirect_dma source(%arg6 : memref<16x768xf32, #tpu.memory_space<vmem>>) target(%dma_start3A_6 : memref<680x768xf32, #tpu.memory_space<hbm>>) offsets(%arg5 : memref<16xi32, #tpu.memory_space<vmem>>) semaphore(%arg7 : memref<!tpu.dma_semaphore, #tpu.memory_space<semaphore_mem>>)
    %dma_wait3A = arith.constant 0 : i32
    %dma_wait3A_7 = arith.constant 0 : i32
    %dma_wait3A_8 = tpu.memref_slice %arg4[%dma_wait3A, %dma_wait3A_7] : memref<680x768xf32, #tpu.memory_space<hbm>> -> memref<680x768xf32, #tpu.memory_space<hbm>>
    tpu.wait_indirect_dma semaphore(%arg7 : memref<!tpu.dma_semaphore, #tpu.memory_space<semaphore_mem>>) src(%arg6 : memref<16x768xf32, #tpu.memory_space<vmem>>) dst(%dma_wait3A_8 : memref<680x768xf32, #tpu.memory_space<hbm>>)
    return
  }
}

#map = affine_map<(d0, d1) -> (0, 0)>
#map1 = affine_map<(d0, d1) -> (0)>
module attributes {stable_mosaic.version = 14 : i64} {
  func.func @_combine_body(%arg0: i32, %arg1: i32, %arg2: memref<640x768xf32, #tpu.memory_space<hbm>>, %arg3: memref<512xi32, #tpu.memory_space<hbm>>, %arg4: memref<512x768xf32, #tpu.memory_space<hbm>>, %arg5: memref<16xi32, #tpu.memory_space<vmem>>, %arg6: memref<16x768xf32, #tpu.memory_space<vmem>>, %arg7: memref<!tpu.dma_semaphore, #tpu.memory_space<semaphore_mem>>) attributes {dimension_semantics = [#tpu.dimension_semantics<core_parallel>, #tpu.dimension_semantics<subcore_parallel>], iteration_bounds = array<i64: 2, 16>, scalar_prefetch = 0 : i64, scratch_operands = 3 : i64, tpu.core_type = #tpu.core_type<sc_vector_subcore>, window_params = [{transform_indices = #map}, {transform_indices = #map1}, {transform_indices = #map}]} {
    %mul3A = arith.constant 2 : i32
    %mul3A_0 = arith.muli %arg1, %mul3A : i32
    %add3A = arith.addi %mul3A_0, %arg0 : i32
    %mul3A_1 = arith.constant 16 : i32
    %mul3A_2 = arith.muli %add3A, %mul3A_1 : i32
    "tpu.region"() ({
      %run_scoped3A = tpu.sem_alloc : memref<!tpu.dma_semaphore, #tpu.memory_space<semaphore_mem>>
      %dma_start3A_9 = tpu.memref_slice %arg3[%mul3A_2] : memref<512xi32, #tpu.memory_space<hbm>> -> memref<16xi32, #tpu.memory_space<hbm>>
      %dma_start3A_10 = tpu.memref_slice %arg3[%mul3A_2] : memref<512xi32, #tpu.memory_space<hbm>> -> memref<16xi32, #tpu.memory_space<hbm>>
      tpu.enqueue_dma source(%dma_start3A_10 : memref<16xi32, #tpu.memory_space<hbm>>) target(%arg5 : memref<16xi32, #tpu.memory_space<vmem>>) target_semaphore(%run_scoped3A : memref<!tpu.dma_semaphore, #tpu.memory_space<semaphore_mem>>)
      %dma_wait3A_11 = tpu.memref_slice %arg3[%mul3A_2] : memref<512xi32, #tpu.memory_space<hbm>> -> memref<16xi32, #tpu.memory_space<hbm>>
      %dma_wait3A_12 = tpu.memref_slice %arg3[%mul3A_2] : memref<512xi32, #tpu.memory_space<hbm>> -> memref<16xi32, #tpu.memory_space<hbm>>
      tpu.wait_dma2 semaphore(%run_scoped3A : memref<!tpu.dma_semaphore, #tpu.memory_space<semaphore_mem>>) src(%dma_wait3A_12 : memref<16xi32, #tpu.memory_space<hbm>>) dst(%arg5 : memref<16xi32, #tpu.memory_space<vmem>>)
      tpu.yield
    }) : () -> ()
    %dma_start3A = arith.constant 0 : i32
    %dma_start3A_3 = arith.constant 0 : i32
    %dma_start3A_4 = tpu.memref_slice %arg2[%dma_start3A, %dma_start3A_3] : memref<640x768xf32, #tpu.memory_space<hbm>> -> memref<640x768xf32, #tpu.memory_space<hbm>>
    tpu.enqueue_indirect_dma source(%dma_start3A_4 : memref<640x768xf32, #tpu.memory_space<hbm>>) target(%arg6 : memref<16x768xf32, #tpu.memory_space<vmem>>) offsets(%arg5 : memref<16xi32, #tpu.memory_space<vmem>>) semaphore(%arg7 : memref<!tpu.dma_semaphore, #tpu.memory_space<semaphore_mem>>)
    %dma_wait3A = arith.constant 0 : i32
    %dma_wait3A_5 = arith.constant 0 : i32
    %dma_wait3A_6 = tpu.memref_slice %arg2[%dma_wait3A, %dma_wait3A_5] : memref<640x768xf32, #tpu.memory_space<hbm>> -> memref<640x768xf32, #tpu.memory_space<hbm>>
    tpu.wait_indirect_dma semaphore(%arg7 : memref<!tpu.dma_semaphore, #tpu.memory_space<semaphore_mem>>) src(%dma_wait3A_6 : memref<640x768xf32, #tpu.memory_space<hbm>>) dst(%arg6 : memref<16x768xf32, #tpu.memory_space<vmem>>)
    %mul3A_7 = arith.constant 16 : i32
    %mul3A_8 = arith.muli %add3A, %mul3A_7 : i32
    "tpu.region"() ({
      %run_scoped3A = tpu.sem_alloc : memref<!tpu.dma_semaphore, #tpu.memory_space<semaphore_mem>>
      %dma_start3A_9 = arith.constant 0 : i32
      %dma_start3A_10 = tpu.memref_slice %arg4[%mul3A_8, %dma_start3A_9] : memref<512x768xf32, #tpu.memory_space<hbm>> -> memref<16x768xf32, #tpu.memory_space<hbm>>
      %dma_start3A_11 = arith.constant 0 : i32
      %dma_start3A_12 = tpu.memref_slice %arg4[%mul3A_8, %dma_start3A_11] : memref<512x768xf32, #tpu.memory_space<hbm>> -> memref<16x768xf32, #tpu.memory_space<hbm>>
      tpu.enqueue_dma source(%arg6 : memref<16x768xf32, #tpu.memory_space<vmem>>) target(%dma_start3A_12 : memref<16x768xf32, #tpu.memory_space<hbm>>) target_semaphore(%run_scoped3A : memref<!tpu.dma_semaphore, #tpu.memory_space<semaphore_mem>>)
      %dma_wait3A_13 = arith.constant 0 : i32
      %dma_wait3A_14 = tpu.memref_slice %arg4[%mul3A_8, %dma_wait3A_13] : memref<512x768xf32, #tpu.memory_space<hbm>> -> memref<16x768xf32, #tpu.memory_space<hbm>>
      %dma_wait3A_15 = arith.constant 0 : i32
      %dma_wait3A_16 = tpu.memref_slice %arg4[%mul3A_8, %dma_wait3A_15] : memref<512x768xf32, #tpu.memory_space<hbm>> -> memref<16x768xf32, #tpu.memory_space<hbm>>
      tpu.wait_dma2 semaphore(%run_scoped3A : memref<!tpu.dma_semaphore, #tpu.memory_space<semaphore_mem>>) src(%arg6 : memref<16x768xf32, #tpu.memory_space<vmem>>) dst(%dma_wait3A_16 : memref<16x768xf32, #tpu.memory_space<hbm>>)
      tpu.yield
    }) : () -> ()
    return
  }
}

module attributes {stable_mosaic.version = 14 : i64} {
  func.func @_router_body(%arg0: memref<512x768xf32, #tpu.memory_space<vmem>>, %arg1: memref<768x16xf32, #tpu.memory_space<vmem>>, %arg2: memref<512xi32, #tpu.memory_space<vmem>>, %arg3: memref<512xi32, #tpu.memory_space<vmem>>, %arg4: memref<720x16xf32, #tpu.memory_space<vmem>>) attributes {dimension_semantics = [], scalar_prefetch = 0 : i64, scratch_operands = 0 : i64, tpu.core_type = #tpu.core_type<tc>} {
    %get3A = arith.constant 0 : index
    %get3A_0 = arith.constant 0 : index
    %get3A_1 = vector.load %arg0[%get3A, %get3A_0] : memref<512x768xf32, #tpu.memory_space<vmem>>, vector<512x768xf32>
    %convert_element_type3A = arith.truncf %get3A_1 : vector<512x768xf32> to vector<512x768xbf16>
    %get3A_2 = arith.constant 0 : index
    %get3A_3 = arith.constant 0 : index
    %get3A_4 = vector.load %arg1[%get3A_2, %get3A_3] : memref<768x16xf32, #tpu.memory_space<vmem>>, vector<768x16xf32>
    %convert_element_type3A_5 = arith.truncf %get3A_4 : vector<768x16xf32> to vector<768x16xbf16>
    %dot_general3A = arith.constant dense<0.000000e+00> : vector<512x16xf32>
    %dot_general3A_6 = tpu.matmul %convert_element_type3A, %convert_element_type3A_5, %dot_general3A {dimension_numbers = #tpu.dot_dimension_numbers<[1], [0], [0], [1], [0, 0, 1, 1], [], []>, transpose_lhs_hint = false} : vector<512x768xbf16>, vector<768x16xbf16>, vector<512x16xf32> -> vector<512x16xf32>
    %reduce_max3A = arith.constant dense<0xFF800000> : vector<512xf32>
    %reduce_max3A_7 = vector.multi_reduction <maximumf>, %dot_general3A_6, %reduce_max3A [1] : vector<512x16xf32> to vector<512xf32>
    %broadcast_in_dim3A = vector.shape_cast %reduce_max3A_7 : vector<512xf32> to vector<512x1xf32>
    %sub3A = vector.broadcast %broadcast_in_dim3A : vector<512x1xf32> to vector<512x16xf32>
    %sub3A_8 = arith.subf %dot_general3A_6, %sub3A : vector<512x16xf32>
    %exp3A = math.exp %sub3A_8 : vector<512x16xf32>
    %reduce_sum3A = arith.constant dense<0.000000e+00> : vector<512xf32>
    %reduce_sum3A_9 = vector.multi_reduction <add>, %exp3A, %reduce_sum3A [1] : vector<512x16xf32> to vector<512xf32>
    %broadcast_in_dim3A_10 = vector.shape_cast %reduce_sum3A_9 : vector<512xf32> to vector<512x1xf32>
    %div3A = vector.broadcast %broadcast_in_dim3A_10 : vector<512x1xf32> to vector<512x16xf32>
    %div3A_11 = arith.divf %exp3A, %div3A : vector<512x16xf32>
    %reduce_max3A_12 = arith.constant dense<0xFF800000> : vector<512xf32>
    %reduce_max3A_13 = vector.multi_reduction <maximumf>, %div3A_11, %reduce_max3A_12 [1] : vector<512x16xf32> to vector<512xf32>
    %argmax3A = tpu.reduce_index %div3A_11 {axis = 1 : i32, kind = #tpu.reduction_kind<arg_max>} : vector<512x16xf32> -> vector<512xi32>
    %iota3A = tpu.iota {dimensions = array<i32: 1>} : vector<512x16xi32>
    %broadcast_in_dim3A_14 = vector.shape_cast %argmax3A : vector<512xi32> to vector<512x1xi32>
    %eq3A = vector.broadcast %broadcast_in_dim3A_14 : vector<512x1xi32> to vector<512x16xi32>
    %eq3A_15 = arith.cmpi eq, %iota3A, %eq3A : vector<512x16xi32>
    %convert_element_type3A_16 = arith.extui %eq3A_15 : vector<512x16xi1> to vector<512x16xi32>
    %convert_element_type3A_17 = arith.sitofp %convert_element_type3A_16 : vector<512x16xi32> to vector<512x16xf32>
    %broadcast_in_dim3A_18 = arith.constant 0.000000e+00 : f32
    %broadcast_in_dim3A_19 = vector.broadcast %broadcast_in_dim3A_18 : f32 to vector<1x16xf32>
    %slice3A = vector.extract_strided_slice %convert_element_type3A_17 {offsets = [0, 0], sizes = [511, 16], strides = [1, 1]} : vector<512x16xf32> to vector<511x16xf32>
    %concatenate3A = tpu.concatenate %broadcast_in_dim3A_19, %slice3A in 0 : vector<1x16xf32>, vector<511x16xf32> -> vector<512x16xf32>
    %add3A = arith.addf %convert_element_type3A_17, %concatenate3A : vector<512x16xf32>
    %broadcast_in_dim3A_20 = arith.constant 0.000000e+00 : f32
    %broadcast_in_dim3A_21 = vector.broadcast %broadcast_in_dim3A_20 : f32 to vector<2x16xf32>
    %slice3A_22 = vector.extract_strided_slice %add3A {offsets = [0, 0], sizes = [510, 16], strides = [1, 1]} : vector<512x16xf32> to vector<510x16xf32>
    %concatenate3A_23 = tpu.concatenate %broadcast_in_dim3A_21, %slice3A_22 in 0 : vector<2x16xf32>, vector<510x16xf32> -> vector<512x16xf32>
    %add3A_24 = arith.addf %add3A, %concatenate3A_23 : vector<512x16xf32>
    %broadcast_in_dim3A_25 = arith.constant 0.000000e+00 : f32
    %broadcast_in_dim3A_26 = vector.broadcast %broadcast_in_dim3A_25 : f32 to vector<4x16xf32>
    %slice3A_27 = vector.extract_strided_slice %add3A_24 {offsets = [0, 0], sizes = [508, 16], strides = [1, 1]} : vector<512x16xf32> to vector<508x16xf32>
    %concatenate3A_28 = tpu.concatenate %broadcast_in_dim3A_26, %slice3A_27 in 0 : vector<4x16xf32>, vector<508x16xf32> -> vector<512x16xf32>
    %add3A_29 = arith.addf %add3A_24, %concatenate3A_28 : vector<512x16xf32>
    %broadcast_in_dim3A_30 = arith.constant 0.000000e+00 : f32
    %broadcast_in_dim3A_31 = vector.broadcast %broadcast_in_dim3A_30 : f32 to vector<8x16xf32>
    %slice3A_32 = vector.extract_strided_slice %add3A_29 {offsets = [0, 0], sizes = [504, 16], strides = [1, 1]} : vector<512x16xf32> to vector<504x16xf32>
    %concatenate3A_33 = tpu.concatenate %broadcast_in_dim3A_31, %slice3A_32 in 0 : vector<8x16xf32>, vector<504x16xf32> -> vector<512x16xf32>
    %add3A_34 = arith.addf %add3A_29, %concatenate3A_33 : vector<512x16xf32>
    %broadcast_in_dim3A_35 = arith.constant 0.000000e+00 : f32
    %broadcast_in_dim3A_36 = vector.broadcast %broadcast_in_dim3A_35 : f32 to vector<16x16xf32>
    %slice3A_37 = vector.extract_strided_slice %add3A_34 {offsets = [0, 0], sizes = [496, 16], strides = [1, 1]} : vector<512x16xf32> to vector<496x16xf32>
    %concatenate3A_38 = tpu.concatenate %broadcast_in_dim3A_36, %slice3A_37 in 0 : vector<16x16xf32>, vector<496x16xf32> -> vector<512x16xf32>
    %add3A_39 = arith.addf %add3A_34, %concatenate3A_38 : vector<512x16xf32>
    %broadcast_in_dim3A_40 = arith.constant 0.000000e+00 : f32
    %broadcast_in_dim3A_41 = vector.broadcast %broadcast_in_dim3A_40 : f32 to vector<32x16xf32>
    %slice3A_42 = vector.extract_strided_slice %add3A_39 {offsets = [0, 0], sizes = [480, 16], strides = [1, 1]} : vector<512x16xf32> to vector<480x16xf32>
    %concatenate3A_43 = tpu.concatenate %broadcast_in_dim3A_41, %slice3A_42 in 0 : vector<32x16xf32>, vector<480x16xf32> -> vector<512x16xf32>
    %add3A_44 = arith.addf %add3A_39, %concatenate3A_43 : vector<512x16xf32>
    %broadcast_in_dim3A_45 = arith.constant 0.000000e+00 : f32
    %broadcast_in_dim3A_46 = vector.broadcast %broadcast_in_dim3A_45 : f32 to vector<64x16xf32>
    %slice3A_47 = vector.extract_strided_slice %add3A_44 {offsets = [0, 0], sizes = [448, 16], strides = [1, 1]} : vector<512x16xf32> to vector<448x16xf32>
    %concatenate3A_48 = tpu.concatenate %broadcast_in_dim3A_46, %slice3A_47 in 0 : vector<64x16xf32>, vector<448x16xf32> -> vector<512x16xf32>
    %add3A_49 = arith.addf %add3A_44, %concatenate3A_48 : vector<512x16xf32>
    %broadcast_in_dim3A_50 = arith.constant 0.000000e+00 : f32
    %broadcast_in_dim3A_51 = vector.broadcast %broadcast_in_dim3A_50 : f32 to vector<128x16xf32>
    %slice3A_52 = vector.extract_strided_slice %add3A_49 {offsets = [0, 0], sizes = [384, 16], strides = [1, 1]} : vector<512x16xf32> to vector<384x16xf32>
    %concatenate3A_53 = tpu.concatenate %broadcast_in_dim3A_51, %slice3A_52 in 0 : vector<128x16xf32>, vector<384x16xf32> -> vector<512x16xf32>
    %add3A_54 = arith.addf %add3A_49, %concatenate3A_53 : vector<512x16xf32>
    %broadcast_in_dim3A_55 = arith.constant 0.000000e+00 : f32
    %broadcast_in_dim3A_56 = vector.broadcast %broadcast_in_dim3A_55 : f32 to vector<256x16xf32>
    %slice3A_57 = vector.extract_strided_slice %add3A_54 {offsets = [0, 0], sizes = [256, 16], strides = [1, 1]} : vector<512x16xf32> to vector<256x16xf32>
    %concatenate3A_58 = tpu.concatenate %broadcast_in_dim3A_56, %slice3A_57 in 0 : vector<256x16xf32>, vector<256x16xf32> -> vector<512x16xf32>
    %add3A_59 = arith.addf %add3A_54, %concatenate3A_58 : vector<512x16xf32>
    %mul3A = arith.mulf %add3A_59, %convert_element_type3A_17 : vector<512x16xf32>
    %reduce_sum3A_60 = arith.constant dense<0.000000e+00> : vector<512xf32>
    %reduce_sum3A_61 = vector.multi_reduction <add>, %mul3A, %reduce_sum3A_60 [1] : vector<512x16xf32> to vector<512xf32>
    %convert_element_type3A_62 = arith.fptosi %reduce_sum3A_61 : vector<512xf32> to vector<512xi32>
    %sub3A_63 = arith.constant 1 : i32
    %sub3A_64 = vector.broadcast %sub3A_63 : i32 to vector<512xi32>
    %sub3A_65 = arith.subi %convert_element_type3A_62, %sub3A_64 : vector<512xi32>
    %lt3A = arith.constant 34 : i32
    %lt3A_66 = vector.broadcast %lt3A : i32 to vector<512xi32>
    %lt3A_67 = arith.cmpi slt, %sub3A_65, %lt3A_66 : vector<512xi32>
    %mul3A_68 = arith.constant 40 : i32
    %mul3A_69 = vector.broadcast %mul3A_68 : i32 to vector<512xi32>
    %mul3A_70 = arith.muli %argmax3A, %mul3A_69 : vector<512xi32>
    %add3A_71 = arith.addi %mul3A_70, %sub3A_65 : vector<512xi32>
    %jit3A = arith.constant 640 : i32
    %broadcast_in_dim3A_72 = vector.broadcast %jit3A : i32 to vector<512xi32>
    %select_n3A = arith.select %lt3A_67, %add3A_71, %broadcast_in_dim3A_72 : vector<512xi1>, vector<512xi32>
    %swap3A = arith.constant 0 : index
    %swap3A_73 = vector.load %arg2[%swap3A] : memref<512xi32, #tpu.memory_space<vmem>>, vector<512xi32>
    tpu.vector_store %arg2[%swap3A], %select_n3A {strides = array<i32>} : memref<512xi32, #tpu.memory_space<vmem>>, vector<512xi32>,
    %min3A = arith.constant 639 : i32
    %min3A_74 = vector.broadcast %min3A : i32 to vector<512xi32>
    %min3A_75 = arith.minsi %select_n3A, %min3A_74 : vector<512xi32>
    %swap3A_76 = arith.constant 0 : index
    %swap3A_77 = vector.load %arg3[%swap3A_76] : memref<512xi32, #tpu.memory_space<vmem>>, vector<512xi32>
    tpu.vector_store %arg3[%swap3A_76], %min3A_75 {strides = array<i32>} : memref<512xi32, #tpu.memory_space<vmem>>, vector<512xi32>,
    %iota3A_78 = tpu.iota {dimensions = array<i32: 0>} : vector<720x512xi32>
    %broadcast_in_dim3A_79 = vector.shape_cast %select_n3A : vector<512xi32> to vector<1x512xi32>
    %eq3A_80 = vector.broadcast %broadcast_in_dim3A_79 : vector<1x512xi32> to vector<720x512xi32>
    %eq3A_81 = arith.cmpi eq, %iota3A_78, %eq3A_80 : vector<720x512xi32>
    %convert_element_type3A_82 = arith.extui %eq3A_81 : vector<720x512xi1> to vector<720x512xi32>
    %convert_element_type3A_83 = arith.sitofp %convert_element_type3A_82 : vector<720x512xi32> to vector<720x512xf32>
    %convert_element_type3A_84 = arith.truncf %convert_element_type3A_83 : vector<720x512xf32> to vector<720x512xbf16>
    %broadcast_in_dim3A_85 = vector.shape_cast %reduce_max3A_13 : vector<512xf32> to vector<512x1xf32>
    %broadcast_in_dim3A_86 = vector.shape_cast %broadcast_in_dim3A_85 : vector<512x1xf32> to vector<512x1xf32>
    %broadcast_in_dim3A_87 = vector.broadcast %broadcast_in_dim3A_86 : vector<512x1xf32> to vector<512x16xf32>
    %convert_element_type3A_88 = arith.truncf %broadcast_in_dim3A_87 : vector<512x16xf32> to vector<512x16xbf16>
    %convert_element_type3A_89 = arith.extf %convert_element_type3A_88 : vector<512x16xbf16> to vector<512x16xf32>
    %sub3A_90 = arith.subf %broadcast_in_dim3A_87, %convert_element_type3A_89 : vector<512x16xf32>
    %convert_element_type3A_91 = arith.truncf %sub3A_90 : vector<512x16xf32> to vector<512x16xbf16>
    %dot_general3A_92 = arith.constant dense<0.000000e+00> : vector<720x16xf32>
    %dot_general3A_93 = tpu.matmul %convert_element_type3A_84, %convert_element_type3A_88, %dot_general3A_92 {dimension_numbers = #tpu.dot_dimension_numbers<[1], [0], [0], [1], [0, 0, 1, 1], [], []>, transpose_lhs_hint = false} : vector<720x512xbf16>, vector<512x16xbf16>, vector<720x16xf32> -> vector<720x16xf32>
    %dot_general3A_94 = arith.constant dense<0.000000e+00> : vector<720x16xf32>
    %dot_general3A_95 = tpu.matmul %convert_element_type3A_84, %convert_element_type3A_91, %dot_general3A_94 {dimension_numbers = #tpu.dot_dimension_numbers<[1], [0], [0], [1], [0, 0, 1, 1], [], []>, transpose_lhs_hint = false} : vector<720x512xbf16>, vector<512x16xbf16>, vector<720x16xf32> -> vector<720x16xf32>
    %add3A_96 = arith.addf %dot_general3A_93, %dot_general3A_95 : vector<720x16xf32>
    %swap3A_97 = arith.constant 0 : index
    %swap3A_98 = arith.constant 0 : index
    %swap3A_99 = vector.load %arg4[%swap3A_97, %swap3A_98] : memref<720x16xf32, #tpu.memory_space<vmem>>, vector<720x16xf32>
    tpu.vector_store %arg4[%swap3A_97, %swap3A_98], %add3A_96 {strides = array<i32>} : memref<720x16xf32, #tpu.memory_space<vmem>>, vector<720x16xf32>,
    return
  }
}

module attributes {stable_mosaic.version = 14 : i64} {
  func.func @_ffn_body(%arg0: i32, %arg1: i32, %arg2: memref<40x768xf32, #tpu.memory_space<vmem>>, %arg3: memref<1x768x1536xf32, #tpu.memory_space<vmem>>, %arg4: memref<1x1x1536xf32, #tpu.memory_space<vmem>>, %arg5: memref<1x1536x768xf32, #tpu.memory_space<vmem>>, %arg6: memref<1x1x768xf32, #tpu.memory_space<vmem>>, %arg7: memref<40x16xf32, #tpu.memory_space<vmem>>, %arg8: memref<40x768xf32, #tpu.memory_space<vmem>>) attributes {dimension_semantics = [#tpu.dimension_semantics<arbitrary>, #tpu.dimension_semantics<arbitrary>], iteration_bounds = array<i64: 16, 2>, scalar_prefetch = 0 : i64, scratch_operands = 0 : i64, tpu.core_type = #tpu.core_type<tc>, window_params = [{transform_indices = @transform_0, window_bounds = array<i64: 40, 768>}, {transform_indices = @transform_1, window_bounds = array<i64: 1, 768, 1536>}, {transform_indices = @transform_2, window_bounds = array<i64: 1, 1, 1536>}, {transform_indices = @transform_3, window_bounds = array<i64: 1, 1536, 768>}, {transform_indices = @transform_4, window_bounds = array<i64: 1, 1, 768>}, {transform_indices = @transform_5, window_bounds = array<i64: 40, 16>}, {transform_indices = @transform_6, window_bounds = array<i64: 40, 768>}]} {
    %get3A = arith.constant 0 : index
    %get3A_0 = arith.constant 0 : index
    %get3A_1 = vector.load %arg2[%get3A, %get3A_0] : memref<40x768xf32, #tpu.memory_space<vmem>>, vector<40x768xf32>
    %get3A_2 = arith.constant 0 : index
    %get3A_3 = arith.constant 0 : index
    %get3A_4 = arith.constant 0 : index
    %get3A_5 = vector.load %arg3[%get3A_2, %get3A_3, %get3A_4] : memref<1x768x1536xf32, #tpu.memory_space<vmem>>, vector<1x768x1536xf32>
    %get3A_6 = vector.shape_cast %get3A_5 : vector<1x768x1536xf32> to vector<768x1536xf32>
    %dot_general3A = arith.constant dense<0.000000e+00> : vector<40x1536xf32>
    %dot_general3A_7 = tpu.matmul %get3A_1, %get3A_6, %dot_general3A {dimension_numbers = #tpu.dot_dimension_numbers<[1], [0], [0], [1], [0, 0, 1, 1], [], []>, transpose_lhs_hint = false} : vector<40x768xf32>, vector<768x1536xf32>, vector<40x1536xf32> -> vector<40x1536xf32>
    %get3A_8 = arith.constant 0 : index
    %get3A_9 = arith.constant 0 : index
    %get3A_10 = arith.constant 0 : index
    %get3A_11 = vector.load %arg4[%get3A_8, %get3A_9, %get3A_10] : memref<1x1x1536xf32, #tpu.memory_space<vmem>>, vector<1x1x1536xf32>
    %get3A_12 = vector.shape_cast %get3A_11 : vector<1x1x1536xf32> to vector<1x1536xf32>
    %add3A = vector.broadcast %get3A_12 : vector<1x1536xf32> to vector<40x1536xf32>
    %add3A_13 = arith.addf %dot_general3A_7, %add3A : vector<40x1536xf32>
    %integer_pow3A = arith.mulf %add3A_13, %add3A_13 : vector<40x1536xf32>
    %integer_pow3A_14 = arith.mulf %add3A_13, %integer_pow3A : vector<40x1536xf32>
    %mul3A = arith.constant 4.471500e-02 : f32
    %mul3A_15 = vector.broadcast %mul3A : f32 to vector<40x1536xf32>
    %mul3A_16 = arith.mulf %mul3A_15, %integer_pow3A_14 : vector<40x1536xf32>
    %add3A_17 = arith.addf %add3A_13, %mul3A_16 : vector<40x1536xf32>
    %mul3A_18 = arith.constant 0.797884583 : f32
    %mul3A_19 = vector.broadcast %mul3A_18 : f32 to vector<40x1536xf32>
    %mul3A_20 = arith.mulf %mul3A_19, %add3A_17 : vector<40x1536xf32>
    %tanh3A = math.tanh %mul3A_20 : vector<40x1536xf32>
    %add3A_21 = arith.constant 1.000000e+00 : f32
    %add3A_22 = vector.broadcast %add3A_21 : f32 to vector<40x1536xf32>
    %add3A_23 = arith.addf %add3A_22, %tanh3A : vector<40x1536xf32>
    %mul3A_24 = arith.constant 5.000000e-01 : f32
    %mul3A_25 = vector.broadcast %mul3A_24 : f32 to vector<40x1536xf32>
    %mul3A_26 = arith.mulf %mul3A_25, %add3A_23 : vector<40x1536xf32>
    %mul3A_27 = arith.mulf %add3A_13, %mul3A_26 : vector<40x1536xf32>
    %get3A_28 = arith.constant 0 : index
    %get3A_29 = arith.constant 0 : index
    %get3A_30 = arith.constant 0 : index
    %get3A_31 = vector.load %arg5[%get3A_28, %get3A_29, %get3A_30] : memref<1x1536x768xf32, #tpu.memory_space<vmem>>, vector<1x1536x768xf32>
    %get3A_32 = vector.shape_cast %get3A_31 : vector<1x1536x768xf32> to vector<1536x768xf32>
    %dot_general3A_33 = arith.constant dense<0.000000e+00> : vector<40x768xf32>
    %dot_general3A_34 = tpu.matmul %mul3A_27, %get3A_32, %dot_general3A_33 {dimension_numbers = #tpu.dot_dimension_numbers<[1], [0], [0], [1], [0, 0, 1, 1], [], []>, transpose_lhs_hint = false} : vector<40x1536xf32>, vector<1536x768xf32>, vector<40x768xf32> -> vector<40x768xf32>
    %eq3A = arith.constant 0 : i32
    %eq3A_35 = arith.cmpi eq, %arg1, %eq3A : i32
    %convert_element_type3A = arith.extui %eq3A_35 : i1 to i32
    %cond3A = arith.constant 0 : i32
    %cond3A_36 = arith.cmpi ne, %convert_element_type3A, %cond3A : i32
    scf.if %cond3A_36 {
      %get3A_46 = arith.constant 0 : index
      %get3A_47 = arith.constant 0 : index
      %get3A_48 = arith.constant 0 : index
      %get3A_49 = vector.load %arg6[%get3A_46, %get3A_47, %get3A_48] : memref<1x1x768xf32, #tpu.memory_space<vmem>>, vector<1x1x768xf32>
      %get3A_50 = vector.shape_cast %get3A_49 : vector<1x1x768xf32> to vector<1x768xf32>
      %add3A_51 = vector.broadcast %get3A_50 : vector<1x768xf32> to vector<40x768xf32>
      %add3A_52 = arith.addf %dot_general3A_34, %add3A_51 : vector<40x768xf32>
      %swap3A = arith.constant 0 : index
      %swap3A_53 = arith.constant 0 : index
      %swap3A_54 = vector.load %arg8[%swap3A, %swap3A_53] : memref<40x768xf32, #tpu.memory_space<vmem>>, vector<40x768xf32>
      tpu.vector_store %arg8[%swap3A, %swap3A_53], %add3A_52 {strides = array<i32>} : memref<40x768xf32, #tpu.memory_space<vmem>>, vector<40x768xf32>,
    } else {
    }
    %gt3A = arith.constant 0 : i32
    %gt3A_37 = arith.cmpi sgt, %arg1, %gt3A : i32
    %convert_element_type3A_38 = arith.extui %gt3A_37 : i1 to i32
    %cond3A_39 = arith.constant 0 : i32
    %cond3A_40 = arith.cmpi ne, %convert_element_type3A_38, %cond3A_39 : i32
    scf.if %cond3A_40 {
      %get3A_46 = arith.constant 0 : index
      %get3A_47 = arith.constant 0 : index
      %get3A_48 = vector.load %arg8[%get3A_46, %get3A_47] : memref<40x768xf32, #tpu.memory_space<vmem>>, vector<40x768xf32>
      %add3A_49 = arith.addf %get3A_48, %dot_general3A_34 : vector<40x768xf32>
      %swap3A = arith.constant 0 : index
      %swap3A_50 = arith.constant 0 : index
      %swap3A_51 = vector.load %arg8[%swap3A, %swap3A_50] : memref<40x768xf32, #tpu.memory_space<vmem>>, vector<40x768xf32>
      tpu.vector_store %arg8[%swap3A, %swap3A_50], %add3A_49 {strides = array<i32>} : memref<40x768xf32, #tpu.memory_space<vmem>>, vector<40x768xf32>,
    } else {
    }
    %eq3A_41 = arith.constant 1 : i32
    %eq3A_42 = arith.cmpi eq, %arg1, %eq3A_41 : i32
    %convert_element_type3A_43 = arith.extui %eq3A_42 : i1 to i32
    %cond3A_44 = arith.constant 0 : i32
    %cond3A_45 = arith.cmpi ne, %convert_element_type3A_43, %cond3A_44 : i32
    scf.if %cond3A_45 {
      %get3A_46 = arith.constant 0 : index
      %get3A_47 = arith.constant 0 : index
      %get3A_48 = vector.load %arg7[%get3A_46, %get3A_47] : memref<40x16xf32, #tpu.memory_space<vmem>>, vector<40x1xf32>
      %get3A_49 = arith.constant 0 : index
      %get3A_50 = arith.constant 0 : index
      %get3A_51 = vector.load %arg8[%get3A_49, %get3A_50] : memref<40x768xf32, #tpu.memory_space<vmem>>, vector<40x768xf32>
      %gt3A_52 = arith.constant 0.000000e+00 : f32
      %gt3A_53 = vector.broadcast %gt3A_52 : f32 to vector<40x1xf32>
      %gt3A_54 = arith.cmpf ogt, %get3A_48, %gt3A_53 : vector<40x1xf32>
      %mul3A_55 = vector.broadcast %get3A_48 : vector<40x1xf32> to vector<40x768xf32>
      %mul3A_56 = arith.mulf %get3A_51, %mul3A_55 : vector<40x768xf32>
      %jit3A = arith.constant 0.000000e+00 : f32
      %broadcast_in_dim3A = vector.shape_cast %gt3A_54 : vector<40x1xi1> to vector<40x1xi1>
      %broadcast_in_dim3A_57 = vector.broadcast %broadcast_in_dim3A : vector<40x1xi1> to vector<40x768xi1>
      %broadcast_in_dim3A_58 = vector.broadcast %jit3A : f32 to vector<40x768xf32>
      %select_n3A = arith.select %broadcast_in_dim3A_57, %mul3A_56, %broadcast_in_dim3A_58 : vector<40x768xi1>, vector<40x768xf32>
      %swap3A = arith.constant 0 : index
      %swap3A_59 = arith.constant 0 : index
      %swap3A_60 = vector.load %arg8[%swap3A, %swap3A_59] : memref<40x768xf32, #tpu.memory_space<vmem>>, vector<40x768xf32>
      tpu.vector_store %arg8[%swap3A, %swap3A_59], %select_n3A {strides = array<i32>} : memref<40x768xf32, #tpu.memory_space<vmem>>, vector<40x768xf32>,
    } else {
    }
    return
  }
  func.func @transform_0(%arg0: i32, %arg1: i32) -> (i32, i32) {
    %c0_i32 = arith.constant 0 : i32
    %c0_i32_0 = arith.constant 0 : i32
    return %arg0, %c0_i32 : i32, i32
  }
  func.func @transform_1(%arg0: i32, %arg1: i32) -> (i32, i32, i32) {
    %c0_i32 = arith.constant 0 : i32
    %c0_i32_0 = arith.constant 0 : i32
    return %arg0, %c0_i32, %arg1 : i32, i32, i32
  }
  func.func @transform_2(%arg0: i32, %arg1: i32) -> (i32, i32, i32) {
    %c0_i32 = arith.constant 0 : i32
    %c0_i32_0 = arith.constant 0 : i32
    return %arg0, %c0_i32, %arg1 : i32, i32, i32
  }
  func.func @transform_3(%arg0: i32, %arg1: i32) -> (i32, i32, i32) {
    %c0_i32 = arith.constant 0 : i32
    %c0_i32_0 = arith.constant 0 : i32
    return %arg0, %arg1, %c0_i32 : i32, i32, i32
  }
  func.func @transform_4(%arg0: i32, %arg1: i32) -> (i32, i32, i32) {
    %c0_i32 = arith.constant 0 : i32
    %c0_i32_0 = arith.constant 0 : i32
    %c0_i32_1 = arith.constant 0 : i32
    return %arg0, %c0_i32, %c0_i32_0 : i32, i32, i32
  }
  func.func @transform_5(%arg0: i32, %arg1: i32) -> (i32, i32) {
    %c0_i32 = arith.constant 0 : i32
    %c0_i32_0 = arith.constant 0 : i32
    return %arg0, %c0_i32 : i32, i32
  }
  func.func @transform_6(%arg0: i32, %arg1: i32) -> (i32, i32) {
    %c0_i32 = arith.constant 0 : i32
    %c0_i32_0 = arith.constant 0 : i32
    return %arg0, %c0_i32 : i32, i32
  }
}

</mosaic_0001>

<sc_bundles>
// kernel: kernel.6.cloned.1.call-start
scs
__scs_entry_jumppad:
0x0: {  	(pc) =	sbr.rel $0x88, $3  }
0x1: {  	(tag) =	ssettag $0x0;
	lr =	simm.s32 $0x1  }
0x2: {  	[smem:$0x3F9B] =	sst lr;
	_ =	strace $0xD0000000  }
0x3: {  	_ = 	snop  }
0x4: {  	_ = 	snop  }
0x5: {  	_ = 	snop  }
0x6: {  	_ = 	snop  }
0x7: {  	_ = 	snop  }
__scs_overlays_trampoline_lowered:
0x8: {  	[smem:$0x3FAA] =	sst s0  }
0x9: {  	[smem:$0x3FAB] =	sst s1  }
0xa: {  	[smem:$0x3FAC] =	sst s2  }
0xb: {  	[smem:$0x3FAD] =	sst s3  }
0xc: {  	[smem:$0x3FAE] =	sst s4  }
0xd: {  	[smem:$0x3FAF] =	sst s5  }
0xe: {  	[smem:$0x3FB0] =	sst s6  }
0xf: {  	[smem:$0x3FB1] =	sst s7  }
0x10: {  	[smem:$0x3FB2] =	sst s8  }
0x11: {  	[smem:$0x3FB3] =	sst s9;
	s0 =	simm.s32 @!p0 $0x0  }
0x12: {  	s1 =	sld [smem:$0x3F99];
	s0 =	simm.s32 @p0 $0x1  }
0x13: {  	[smem:$0x3FB4] =	sst s0;
	s0 =	simm.s32 @!p1 $0x0  }
0x14: {  	s2 =	sld [smem:$0x3F98];
	s0 =	simm.s32 @p1 $0x1  }
0x15: {  	[smem:$0x3FB5] =	sst s0;
	s0 =	simm.s32 @!p2 $0x0  }
0x16: {  	s3 =	sld [smem:$0x3FDB];
	s0 =	simm.s32 @p2 $0x1  }
0x17: {  	s4 =	simm.s32 $0x1BF5;
	[smem:$0x3FB7] =	sst s0  }
0x18: {  	s0 =	sld [smem:$0x3F9A];
	_ =	swait.ge [sflag:s4], $0x0  }
0x19: {  	s7 =	sld [smem:$0x3F9B]  }
0x1a: {  	s8 =	sadd.s32 $0xFFFFE003, lr  }
0x1b: {  	s9 =	sadd.s32 $0xFFFFFEF7, lr;
	s5 =	simm.s32 $0xFFFFFFFF;
	p2 =	slt.u32 s8, $0xFFFFF086  }
0x1c: {  	p1 =	slt.u32 s9, $0xF7A;
	s5 =	simm.s32 @!p2 $0x0  }
0x1d: {  	s5 =	simm.s32 @p1 $0x1;
	p0 =	seq.s32 s7, s2  }
0x1e: {  	s7 =	smul.u32 @!p0 $0xF7A, s2;
	p2 =	seq.s32 @!p0 s5, $0x0  }
0x1f: {  	s9 =	smul.u32 $0xF7A, s1;
	s8 =	simm.s32 @!p0 $0x1BF5;
	p2 =	por !p2, p0  }
0x20: {  	[sflag:s8] =	ssyncset.s32 @!p0 $0xFFFFF086;
	s6 =	sadd.s32 @!p0 s3, s7;
	s7 =	simm.s32 @!p0 $0x108  }
0x21: {  	s3 =	sadd.s32 s3, s9;
	s6 =	sadd.s32 @!p0 $0x88, s6;
	s7 =	simm.s32 @p2 $0x1082  }
0x22: {  	[simem:s7], [sflag:s8] =	dma.local @!p0 [hbm:s6], $0xF7A  }
0x23: {  	s9 =	sor.u32 $0xD0000000, s2;
	s6 =	simm.s32 $0x108;
	_ =	swait.ge @!p0 [sflag:s8], $0x0  }
0x24: {  	s3 =	sadd.s32 $0x88, s3;
	s6 =	simm.s32 @!p1 $0x1082;
	[sflag:s4] =	ssyncset.s32 $0xFFFFF086  }
0x25: {  	[simem:s6], [sflag:s4] =	dma.local [hbm:s3], $0xF7A  }
0x26: {  	[smem:$0x3F9B] =	sst s1;
	(tag) =	ssettag s2;
	_ =	strace s9  }
0x27: {  	s1 =	sld [smem:$0x3FAB]  }
0x28: {  	s2 =	sld [smem:$0x3FAC]  }
0x29: {  	s4 =	sld [smem:$0x3FAE]  }
0x2a: {  	p0 =	seq.s32 s5, $0x0;
	s5 =	sld [smem:$0x3FAF]  }
0x2b: {  	s6 =	sld [smem:$0x3FB0]  }
0x2c: {  	s7 =	sld [smem:$0x3FB1]  }
0x2d: {  	s3 =	simm.s32 $0x108;
	s8 =	sld [smem:$0x3FB2]  }
0x2e: {  	s3 =	simm.s32 @!p0 $0x1082;
	s9 =	sld [smem:$0x3FB3]  }
0x2f: {  	lr =	sadd.s32 s0, s3;
	s0 =	sld [smem:$0x3FAA]  }
0x30: {  	s3 =	sld [smem:$0x3FAD]  }
0x31: {  	[smem:$0x3FB6] =	sst s10  }
0x32: {  	s10 =	sld [smem:$0x3FB4];
	_ =	sdelay $0x3  }
0x33: {  	p0 =	seq.s32 s10, $0x1;
	s10 =	sld [smem:$0x3FB6];
	_ =	sdelay $0x3  }
0x34: {  	[smem:$0x3FB6] =	sst s10  }
0x35: {  	s10 =	sld [smem:$0x3FB5];
	_ =	sdelay $0x3  }
0x36: {  	p1 =	seq.s32 s10, $0x1;
	s10 =	sld [smem:$0x3FB6];
	_ =	sdelay $0x3  }
0x37: {  	[smem:$0x3FB6] =	sst s10  }
0x38: {  	s10 =	sld [smem:$0x3FB7]  }
0x39: {  	_ = 	snop;
	(pc) =	sbr.ind lr, $3  }
0x3a: {  	_ = 	snop  }
0x3b: {  	_ = 	snop  }
0x3c: {  	p2 =	seq.s32 s10, $0x1;
	s10 =	sld [smem:$0x3FB6]  }
0x3d: {  	_ =	shalt  }
0x3e: {  	_ =	shalt  }
0x3f: {  	_ =	shalt  }
0x40: {  	_ =	shalt  }
0x41: {  	_ =	shalt  }
0x42: {  	_ =	shalt  }
0x43: {  	_ =	shalt  }
0x44: {  	_ =	shalt  }
0x45: {  	_ =	shalt  }
0x46: {  	_ =	shalt  }
0x47: {  	_ =	shalt  }
0x48: {  	_ =	shalt  }
0x49: {  	_ =	shalt  }
0x4a: {  	_ =	shalt  }
0x4b: {  	_ =	shalt  }
0x4c: {  	_ =	shalt  }
0x4d: {  	_ =	shalt  }
0x4e: {  	_ =	shalt  }
0x4f: {  	_ =	shalt  }
0x50: {  	_ =	shalt  }
0x51: {  	_ =	shalt  }
0x52: {  	_ =	shalt  }
0x53: {  	_ =	shalt  }
0x54: {  	_ =	shalt  }
0x55: {  	_ =	shalt  }
0x56: {  	_ =	shalt  }
0x57: {  	_ =	shalt  }
0x58: {  	_ =	shalt  }
0x59: {  	_ =	shalt  }
0x5a: {  	_ =	shalt  }
0x5b: {  	_ =	shalt  }
0x5c: {  	_ =	shalt  }
0x5d: {  	_ =	shalt  }
0x5e: {  	_ =	shalt  }
0x5f: {  	_ =	shalt  }
0x60: {  	_ =	shalt  }
0x61: {  	_ =	shalt  }
0x62: {  	_ =	shalt  }
0x63: {  	_ =	shalt  }
0x64: {  	_ =	shalt  }
0x65: {  	_ =	shalt  }
0x66: {  	_ =	shalt  }
0x67: {  	_ =	shalt  }
0x68: {  	_ =	shalt  }
0x69: {  	_ =	shalt  }
0x6a: {  	_ =	shalt  }
0x6b: {  	_ =	shalt  }
0x6c: {  	_ =	shalt  }
0x6d: {  	_ =	shalt  }
0x6e: {  	_ =	shalt  }
0x6f: {  	_ =	shalt  }
0x70: {  	_ =	shalt  }
0x71: {  	_ =	shalt  }
0x72: {  	_ =	shalt  }
0x73: {  	_ =	shalt  }
0x74: {  	_ =	shalt  }
0x75: {  	_ =	shalt  }
0x76: {  	_ =	shalt  }
0x77: {  	_ =	shalt  }
0x78: {  	_ =	shalt  }
0x79: {  	_ =	shalt  }
0x7a: {  	_ =	shalt  }
0x7b: {  	_ =	shalt  }
0x7c: {  	_ =	shalt  }
0x7d: {  	_ =	shalt  }
0x7e: {  	_ =	shalt  }
0x7f: {  	_ =	shalt  }
0x80: {  	_ =	shalt  }
0x81: {  	_ =	shalt  }
0x82: {  	_ =	shalt  }
0x83: {  	_ =	shalt  }
0x84: {  	_ =	shalt  }
0x85: {  	_ =	shalt  }
0x86: {  	_ =	shalt  }
0x87: {  	_ =	shalt  }
.Lfunc_end0:
.L_simem_size_0:
called_computation_lowered:
.L_overlay_start_0:
0x88: {  	s2 =	sld [smem:$0x3FD9]  }
0x89: {  	s3 =	sld [smem:$0x3FFE];
	_ =	sdelay $0x1  }
0x8a: {  	s1 =	srdreg.scid  }
0x8b: {  	s0 =	sand.u32 $0x1, s1  }
0x8c: {  	s17 =	sshll.u32 s0, $0xA;
	s2 =	sadd.s32 s3, s2  }
0x8d: {  	s2 =	sadd.s32 s2, s17  }
0x8e: {  	[smem:$0x3FC2] =	sst s2  }
0x8f: {  	_ = 	snop  }
0x90: {  	s2 =	sld [smem:$0x3FC9]  }
0x91: {  	s18 =	sld [smem:$0x3FD0];
	(tm) =	ssettm $0x1  }
0x92: {  	s4 =	sld [smem:$0x3FFB];
	_ =	sdelay $0x3  }
0x93: {  	_ =	strace s4  }
0x94: {  	s4 =	sld [smem:$0x3FFC];
	_ =	sdelay $0x3  }
0x95: {  	_ =	strace s4  }
0x96: {  	s4 =	sld [smem:$0x3FFD];
	_ =	sdelay $0x3  }
0x97: {  	_ =	strace s4  }
0x98: {  	_ =	strace $0x8FFFFFFF  }
0x99: {  	s19 =	sld [smem:$0x3FDB];
	_ =	sdelay $0x1  }
0x9a: {  	s5 =	simm.s32 $_scs_section_size  }
0x9b: {  	s6 =	simm.s32 $_size__tile_overlayer_lowered;
	s7 =	simm.s32 $_tile_overlayer_lowered  }
0x9c: {  	s22 =	simm.s32 $0x1BFF;
	s21 =	sshll.u32 s7, $0x1;
	s4 =	sadd.s32 s5, s19  }
0x9d: {  	s8 =	simm.s32 $0x0;
	s20 =	sshll.u32 s6, $0x1;
	s6 =	sadd.s32 s21, s4  }
0x9e: {  	[timem:s8], [sflag:s22] =	dma.local [hbm:s6], s20  }
0x9f: {  	_ =	swait.ge [sflag:s22], s20  }
0xa0: {  	s5 =	ssub.s32 $0x0, s20;
	[sflag:s22] =	ssyncset.done $0x0  }
0xa1: {  	[sflag:s22] =	ssyncadd.s32 s5;
	_ =	sdelay $0x1  }
0xa2: {  	s23 =	simm.s32 $0x1B8B  }
0xa3: {  	_ =	swait.ge [sflag:s23], $0x1  }
0xa4: {  	[sflag:s23] =	ssyncset.done $0x0  }
0xa5: {  	s25 =	simm.s32 $0x1B8E;
	s24 =	sld [smem:$0x3FFE];
	[sflag:s23] =	ssyncadd.s32 $0xFFFFFFFF  }
0xa6: {  	s26 =	simm.s32 $execute0_lowered;
	[smem:$0x3FD2] =	sst s25  }
0xa7: {  	s6 =	sshll.u32 s26, $0x1;
	_ =	strace $0x80000046;
	[dreg:$0x1] =	wrdreg $0xFFFFFFFF  }
0xa8: {  	s28 =	simm.s32 $_size_execute0_lowered;
	s4 =	sadd.s32 s4, s6;
	[dreg:$0x0] =	wrdreg $0x0  }
0xa9: {  	s6 =	sshll.u32 s28, $0x1;
	[dreg:$0x2] =	wrdreg s4  }
0xaa: {  	[dreg:$0x3] =	wrdreg s6  }
0xab: {  	[dreg:$0x4] =	wrdreg $0xC0  }
0xac: {  	_ =	task [dreg:s8], $0x5FFFF  }
0xad: {  	[dreg:$0x1] =	wrdreg $0xFFFFFFFF  }
0xae: {  	[dreg:$0x0] =	wrdreg $0x60  }
0xaf: {  	[dreg:$0x2] =	wrdreg s18  }
0xb0: {  	[dreg:$0x3] =	wrdreg s2  }
0xb1: {  	[dreg:$0x4] =	wrdreg s24  }
0xb2: {  	[dreg:$0x5] =	wrdreg $0x9  }
0xb3: {  	_ =	task.clear_ibuf [dreg:s8], $0x6FFFF;
	_ =	strace $0x90000046  }
0xb4: {  	s29 =	simm.s32 $0x9;
	_ =	strace $0x80000048  }
0xb5: {  	_ =	swait.ge [sflag:s29], $0x1  }
0xb6: {  	[sflag:s29] =	ssyncadd.s32 $0xFFFFFFFF  }
0xb7: {  	_ =	strace $0x90000048  }
0xb8: {  	_ =	sfence  }
0xb9: {  	s30 =	sld [smem:$0x0];
	_ =	sdelay $0x2  }
0xba: {  	s31 =	sshll.u32 s1, $0xD;
	s1 =	sshrl.u32 s1, $0x2  }
0xbb: {  	s3 =	sand.u32 $0x4000, s31;
	s1 =	sadd.s32 s1, s30  }
0xbc: {  	s0 =	sor.u32 s3, s0;
	s1 =	sshll.u32 s1, $0x11  }
0xbd: {  	s0 =	sor.u32 s1, s0  }
0xbe: {  	s0 =	sadd.s32 $0x8F2B, s0  }
0xbf: {  	[sflag:s0] =	ssyncadd.remote.s32 $0x1  }
0xc0: {  	_ =	sfence.sel $0xFFFF  }
0xc1: {  	[dreg:$0x0] =	wrdreg $0xFFFFFFFF;
	(pc) =	sbr.abs _section_cstart, $3  }
0xc2: {  	[dreg:$0x1] =	wrdreg $0xFFFFFFFF  }
0xc3: {  	_ =	task.clear_ibuf [dreg:s8], $0x2FFFF;
	_ =	strace $0x9FFFFFFF  }
0xc4: {  	(tm) =	ssettm $0x7FFFFFFF  }
0xc5: {  	_ =	shalt  }
tec
execute0_lowered:
.L_overlay_start_1:
0x0: {  	(tag) =	ssettag $0x1  }
0x1: {  	s1 =	srdreg.scid  }
0x2: {  	s6 =	rddreg [dreg:$0x0];
	s0 =	stileid.u32;
	s10 =	sand.u32 $0x1, s1  }
0x3: {  	s3 =	rddreg [dreg:$0x1];
	s4 =	sshll.u32 s0, $0x2;
	s5 =	sshll.u32 s10, $0x1  }
0x4: {  	s11 =	rddreg [dreg:$0x2];
	s2 =	simm.s32 $0x0;
	s7 =	sor.u32 s5, s4  }
0x5: {  	[smem:$0x7FF] =	sst s2;
	s4 =	smul.u32 $0x300, s7  }
0x6: {  	s1 =	rddreg [dreg:$0x3];
	_ =	strace $0x80000047  }
0x7: {  	s5 =	simm.s32 $0x2;
	s3 =	sadd.s32 s3, s4;
	s4 =	simm.s32 $0x80  }
0x8: {  	[tilespmem:s4], [sflag:$0x2] =	stream.linear.gather [hbm4b:s3+s2], $0x3000, $0x38;
	[tilespmem:$0x3080] =	vst v63  }
0x9: {  	_ =	swait.ge [sflag:s5], $0x3000  }
0xa: {  	[sflag:s5] =	ssyncset.done $0x0  }
0xb: {  	s6 =	sadd.s32 s6, s7;
	[sflag:s5] =	ssyncadd.s32 $0xFFFFD000  }
0xc: {  	[tilespmem:s2], [sflag:$0x2] =	stream.linear.gather [hbm4b:s6+s2], $0x10, $0x38;
	[tilespmem:$0x3080] =	vst v63  }
0xd: {  	_ =	swait.ge [sflag:s5], $0x10  }
0xe: {  	[sflag:s5] =	ssyncset.done $0x0  }
0xf: {  	[sflag:s5] =	ssyncadd.s32 $0xFFFFFFF0  }
0x10: {  	v0 =	vld [tilespmem:$0x0];
	_ =	sdelay $0x4  }
0x11: {  	v1 =	vshrl.u32 v0, $0x3  }
0x12: {  	v1 =	vmul.u32 $0x30, v1  }
0x13: {  	v2 =	vlaneseq.u32;
	v3 =	vand.u32 $0x7, v0  }
0x14: {  	v4 =	vshrl.u32 v2, $0x3;
	v0 =	vand.u32 $0x7, v2;
	v3 =	vor.u32 v3, v1  }
0x15: {  	v1 =	vmul.u32 $0x8, v4;
	v63 =	vperm.xlane v3, v0;
	_ =	sdelay $0x1  }
0x16: {  	v4 =	vadd.s32 v1, v63;
	_ =	sdelay $0x2  }
0x17: {  	v2 =	vor.u32 $0x8, v2  }
0x18: {  	vm0 =	vmmov $0xffff;
	s13 =	ssub.s32 $0x2, s10;
	s7 =	sadd.s32 $0x1A00, s11;
	v3 =	vperm.xlane v3, v2  }
0x19: {  	[hbm4b:s7+s2] =	stream.indirect_vreg.scatter [tilespmem:s4], [sflag:$0x1], $0x80, v4, vm0, $0xb8;
	[tilespmem:$0x3080] =	vst v63  }
0x1a: {  	s9 =	simm.s32 $0x880;
	s8 =	sadd.s32 $0x1B00, s11;
	s14 =	sshrl.u32 s13, $0x1;
	v3 =	vadd.s32 v1, v3  }
0x1b: {  	[hbm4b:s8+s2] =	stream.indirect_vreg.scatter [tilespmem:s9], [sflag:$0x1], $0x80, v4, vm0, $0xb8;
	[tilespmem:$0x3080] =	vst v63  }
0x1c: {  	s10 =	sadd.s32 $0x1C00, s11;
	s11 =	simm.s32 $0x1080;
	s14 =	ssub.s32 s13, s14  }
0x1d: {  	[hbm4b:s10+s2] =	stream.indirect_vreg.scatter [tilespmem:s11], [sflag:$0x1], $0x80, v4, vm0, $0xb8;
	[tilespmem:$0x3080] =	vst v63  }
0x1e: {  	s12 =	simm.s32 $0x1880;
	s16 =	smax.u32 s14, $0x1  }
0x1f: {  	[hbm4b:s7+s2] =	stream.indirect_vreg.scatter [tilespmem:s12], [sflag:$0x1], $0x80, v3, vm0, $0xb8;
	[tilespmem:$0x3080] =	vst v63  }
0x20: {  	s13 =	simm.s32 $0x2080;
	p0 =	sne.s32 s16, $0x1  }
0x21: {  	[hbm4b:s8+s2] =	stream.indirect_vreg.scatter [tilespmem:s13], [sflag:$0x1], $0x80, v3, vm0, $0xb8;
	[tilespmem:$0x3080] =	vst v63  }
.Ltmp0:
0x22: {  	_ = 	snop;
	(pc) =	sbr.rel @!p0 .LBB2_2-.Ltmp0, $4  }
0x23: {  	s15 =	simm.s32 $0x2880;
	s14 =	simm.s32 $0x1  }
0x24: {  	[hbm4b:s10+s2] =	stream.indirect_vreg.scatter [tilespmem:s15], [sflag:$0x1], $0x80, v3, vm0, $0xb8;
	[tilespmem:$0x3080] =	vst v63  }
0x25: {  	_ =	swait.ge [sflag:s14], $0x3000  }
0x26: {  	s16 =	sadd.s32 $0xFFFFFFFF, s16;
	[sflag:s14] =	ssyncset.done $0x0  }
.LBB2_1:
0x27: {  	p0 =	sne.s32 s16, $0x1;
	s16 =	sadd.s32 $0xFFFFFFFF, s16;
	[sflag:s14] =	ssyncadd.s32 $0xFFFFD000  }
0x28: {  	_ = 	snop  }
0x29: {  	[tilespmem:s4], [sflag:$0x2] =	stream.linear.gather [hbm4b:s3+s2], $0x3000, $0x38;
	[tilespmem:$0x3080] =	vst v63  }
0x2a: {  	_ =	swait.ge [sflag:s5], $0x3000  }
0x2b: {  	[sflag:s5] =	ssyncset.done $0x0  }
0x2c: {  	[sflag:s5] =	ssyncadd.s32 $0xFFFFD000  }
0x2d: {  	[tilespmem:s2], [sflag:$0x2] =	stream.linear.gather [hbm4b:s6+s2], $0x10, $0x38;
	[tilespmem:$0x3080] =	vst v63  }
0x2e: {  	_ =	swait.ge [sflag:s5], $0x10  }
0x2f: {  	[sflag:s5] =	ssyncset.done $0x0  }
0x30: {  	[sflag:s5] =	ssyncadd.s32 $0xFFFFFFF0  }
0x31: {  	v3 =	vld [tilespmem:$0x0];
	_ =	sdelay $0x4  }
0x32: {  	v4 =	vshrl.u32 v3, $0x3  }
0x33: {  	v4 =	vmul.u32 $0x30, v4  }
0x34: {  	v3 =	vand.u32 $0x7, v3  }
0x35: {  	v3 =	vor.u32 v3, v4  }
0x36: {  	v4 =	vperm.xlane v3, v0;
	v3 =	vperm.xlane v3, v2;
	_ =	sdelay $0x1  }
0x37: {  	v4 =	vadd.s32 v1, v4;
	_ =	sdelay $0x4  }
0x38: {  	[hbm4b:s7+s2] =	stream.indirect_vreg.scatter [tilespmem:s4], [sflag:$0x1], $0x80, v4, vm0, $0xb8;
	[tilespmem:$0x3080] =	vst v63  }
0x39: {  	v3 =	vadd.s32 v1, v3  }
0x3a: {  	[hbm4b:s8+s2] =	stream.indirect_vreg.scatter [tilespmem:s9], [sflag:$0x1], $0x80, v4, vm0, $0xb8;
	[tilespmem:$0x3080] =	vst v63  }
0x3b: {  	_ = 	snop  }
0x3c: {  	[hbm4b:s10+s2] =	stream.indirect_vreg.scatter [tilespmem:s11], [sflag:$0x1], $0x80, v4, vm0, $0xb8;
	[tilespmem:$0x3080] =	vst v63  }
0x3d: {  	_ = 	snop  }
0x3e: {  	[hbm4b:s7+s2] =	stream.indirect_vreg.scatter [tilespmem:s12], [sflag:$0x1], $0x80, v3, vm0, $0xb8;
	[tilespmem:$0x3080] =	vst v63  }
0x3f: {  	_ = 	snop  }
0x40: {  	[hbm4b:s8+s2] =	stream.indirect_vreg.scatter [tilespmem:s13], [sflag:$0x1], $0x80, v3, vm0, $0xb8;
	[tilespmem:$0x3080] =	vst v63  }
.Ltmp1:
0x41: {  	_ = 	snop;
	(pc) =	sbr.rel @p0 .LBB2_1-.Ltmp1, $4  }
0x42: {  	_ = 	snop  }
0x43: {  	[hbm4b:s10+s2] =	stream.indirect_vreg.scatter [tilespmem:s15], [sflag:$0x1], $0x80, v3, vm0, $0xb8;
	[tilespmem:$0x3080] =	vst v63  }
0x44: {  	_ =	swait.ge [sflag:s14], $0x3000  }
0x45: {  	[sflag:s14] =	ssyncset.done $0x0  }
.LBB2_2:
0x46: {  	[sflag:s14] =	ssyncadd.s32 $0xFFFFD000  }
0x47: {  	_ =	sfence.sel $0x180000  }
0x48: {  	[bflag:$0x0] =	sbarrier.arrive $0xFFFF  }
0x49: {  	p0 =	sne.s32 s0, $0x0;
	_ =	strace $0x90000047  }
0x4a: {  	s0 =	sadd.s32 @!p0 $0x100000, s1;
	[bflag:$0x2] =	sbarrier.arrive $0xFFFF  }
0x4b: {  	[sflag:s0] =	ssyncadd.tile.s32 @!p0 $0x1;
	_ =	shalt  }
.Lfunc_end2:
_tile_overlayer_lowered:
.L_overlay_start_2:
0x4c: {  	(tag) =	ssettag $0x2  }
0x4d: {  	s0 =	rddreg [dreg:$0x0];
	s2 =	stileid.u32  }
0x4e: {  	s1 =	rddreg [dreg:$0x1];
	p0 =	sne.s32 s2, $0x0  }
0x4f: {  	s3 =	rddreg [dreg:$0x2];
	[bflag:$0x3] =	sbarrier.arrive $0xFFFF;
	s2 =	simm.s32 @!p0 $0x1C02  }
0x50: {  	[timem:s3], [sflag:s2] =	dma.local @!p0 [hbm:s0], s1  }
0x51: {  	s0 =	simm.s32 @!p0 $0x2  }
0x52: {  	_ =	swait.ge @!p0 [sflag:s0], s1  }
0x53: {  	s1 =	ssub.s32 @!p0 $0x0, s1;
	[sflag:s0] =	ssyncset.done @!p0 $0x0  }
0x54: {  	[sflag:s0] =	ssyncadd.s32 @!p0 s1  }
0x55: {  	[bflag:$0x3] =	sbarrier.arrive $0xFFFF  }
0x56: {  	_ =	shalt  }

// kernel: kernel.9.cloned.1.call-start
scs
__scs_entry_jumppad:
0x0: {  	(pc) =	sbr.rel $0x88, $3  }
0x1: {  	(tag) =	ssettag $0x0;
	lr =	simm.s32 $0x1  }
0x2: {  	[smem:$0x3F9B] =	sst lr;
	_ =	strace $0xD0000000  }
0x3: {  	_ = 	snop  }
0x4: {  	_ = 	snop  }
0x5: {  	_ = 	snop  }
0x6: {  	_ = 	snop  }
0x7: {  	_ = 	snop  }
__scs_overlays_trampoline_lowered:
0x8: {  	[smem:$0x3FAA] =	sst s0  }
0x9: {  	[smem:$0x3FAB] =	sst s1  }
0xa: {  	[smem:$0x3FAC] =	sst s2  }
0xb: {  	[smem:$0x3FAD] =	sst s3  }
0xc: {  	[smem:$0x3FAE] =	sst s4  }
0xd: {  	[smem:$0x3FAF] =	sst s5  }
0xe: {  	[smem:$0x3FB0] =	sst s6  }
0xf: {  	[smem:$0x3FB1] =	sst s7  }
0x10: {  	[smem:$0x3FB2] =	sst s8  }
0x11: {  	[smem:$0x3FB3] =	sst s9;
	s0 =	simm.s32 @!p0 $0x0  }
0x12: {  	s1 =	sld [smem:$0x3F99];
	s0 =	simm.s32 @p0 $0x1  }
0x13: {  	[smem:$0x3FB4] =	sst s0;
	s0 =	simm.s32 @!p1 $0x0  }
0x14: {  	s2 =	sld [smem:$0x3F98];
	s0 =	simm.s32 @p1 $0x1  }
0x15: {  	[smem:$0x3FB5] =	sst s0;
	s0 =	simm.s32 @!p2 $0x0  }
0x16: {  	s3 =	sld [smem:$0x3FDB];
	s0 =	simm.s32 @p2 $0x1  }
0x17: {  	s4 =	simm.s32 $0x1BF5;
	[smem:$0x3FB7] =	sst s0  }
0x18: {  	s0 =	sld [smem:$0x3F9A];
	_ =	swait.ge [sflag:s4], $0x0  }
0x19: {  	s7 =	sld [smem:$0x3F9B]  }
0x1a: {  	s8 =	sadd.s32 $0xFFFFE003, lr  }
0x1b: {  	s9 =	sadd.s32 $0xFFFFFEF7, lr;
	s5 =	simm.s32 $0xFFFFFFFF;
	p2 =	slt.u32 s8, $0xFFFFF086  }
0x1c: {  	p1 =	slt.u32 s9, $0xF7A;
	s5 =	simm.s32 @!p2 $0x0  }
0x1d: {  	s5 =	simm.s32 @p1 $0x1;
	p0 =	seq.s32 s7, s2  }
0x1e: {  	s7 =	smul.u32 @!p0 $0xF7A, s2;
	p2 =	seq.s32 @!p0 s5, $0x0  }
0x1f: {  	s9 =	smul.u32 $0xF7A, s1;
	s8 =	simm.s32 @!p0 $0x1BF5;
	p2 =	por !p2, p0  }
0x20: {  	[sflag:s8] =	ssyncset.s32 @!p0 $0xFFFFF086;
	s6 =	sadd.s32 @!p0 s3, s7;
	s7 =	simm.s32 @!p0 $0x108  }
0x21: {  	s3 =	sadd.s32 s3, s9;
	s6 =	sadd.s32 @!p0 $0x88, s6;
	s7 =	simm.s32 @p2 $0x1082  }
0x22: {  	[simem:s7], [sflag:s8] =	dma.local @!p0 [hbm:s6], $0xF7A  }
0x23: {  	s9 =	sor.u32 $0xD0000000, s2;
	s6 =	simm.s32 $0x108;
	_ =	swait.ge @!p0 [sflag:s8], $0x0  }
0x24: {  	s3 =	sadd.s32 $0x88, s3;
	s6 =	simm.s32 @!p1 $0x1082;
	[sflag:s4] =	ssyncset.s32 $0xFFFFF086  }
0x25: {  	[simem:s6], [sflag:s4] =	dma.local [hbm:s3], $0xF7A  }
0x26: {  	[smem:$0x3F9B] =	sst s1;
	(tag) =	ssettag s2;
	_ =	strace s9  }
0x27: {  	s1 =	sld [smem:$0x3FAB]  }
0x28: {  	s2 =	sld [smem:$0x3FAC]  }
0x29: {  	s4 =	sld [smem:$0x3FAE]  }
0x2a: {  	p0 =	seq.s32 s5, $0x0;
	s5 =	sld [smem:$0x3FAF]  }
0x2b: {  	s6 =	sld [smem:$0x3FB0]  }
0x2c: {  	s7 =	sld [smem:$0x3FB1]  }
0x2d: {  	s3 =	simm.s32 $0x108;
	s8 =	sld [smem:$0x3FB2]  }
0x2e: {  	s3 =	simm.s32 @!p0 $0x1082;
	s9 =	sld [smem:$0x3FB3]  }
0x2f: {  	lr =	sadd.s32 s0, s3;
	s0 =	sld [smem:$0x3FAA]  }
0x30: {  	s3 =	sld [smem:$0x3FAD]  }
0x31: {  	[smem:$0x3FB6] =	sst s10  }
0x32: {  	s10 =	sld [smem:$0x3FB4];
	_ =	sdelay $0x3  }
0x33: {  	p0 =	seq.s32 s10, $0x1;
	s10 =	sld [smem:$0x3FB6];
	_ =	sdelay $0x3  }
0x34: {  	[smem:$0x3FB6] =	sst s10  }
0x35: {  	s10 =	sld [smem:$0x3FB5];
	_ =	sdelay $0x3  }
0x36: {  	p1 =	seq.s32 s10, $0x1;
	s10 =	sld [smem:$0x3FB6];
	_ =	sdelay $0x3  }
0x37: {  	[smem:$0x3FB6] =	sst s10  }
0x38: {  	s10 =	sld [smem:$0x3FB7]  }
0x39: {  	_ = 	snop;
	(pc) =	sbr.ind lr, $3  }
0x3a: {  	_ = 	snop  }
0x3b: {  	_ = 	snop  }
0x3c: {  	p2 =	seq.s32 s10, $0x1;
	s10 =	sld [smem:$0x3FB6]  }
0x3d: {  	_ =	shalt  }
0x3e: {  	_ =	shalt  }
0x3f: {  	_ =	shalt  }
0x40: {  	_ =	shalt  }
0x41: {  	_ =	shalt  }
0x42: {  	_ =	shalt  }
0x43: {  	_ =	shalt  }
0x44: {  	_ =	shalt  }
0x45: {  	_ =	shalt  }
0x46: {  	_ =	shalt  }
0x47: {  	_ =	shalt  }
0x48: {  	_ =	shalt  }
0x49: {  	_ =	shalt  }
0x4a: {  	_ =	shalt  }
0x4b: {  	_ =	shalt  }
0x4c: {  	_ =	shalt  }
0x4d: {  	_ =	shalt  }
0x4e: {  	_ =	shalt  }
0x4f: {  	_ =	shalt  }
0x50: {  	_ =	shalt  }
0x51: {  	_ =	shalt  }
0x52: {  	_ =	shalt  }
0x53: {  	_ =	shalt  }
0x54: {  	_ =	shalt  }
0x55: {  	_ =	shalt  }
0x56: {  	_ =	shalt  }
0x57: {  	_ =	shalt  }
0x58: {  	_ =	shalt  }
0x59: {  	_ =	shalt  }
0x5a: {  	_ =	shalt  }
0x5b: {  	_ =	shalt  }
0x5c: {  	_ =	shalt  }
0x5d: {  	_ =	shalt  }
0x5e: {  	_ =	shalt  }
0x5f: {  	_ =	shalt  }
0x60: {  	_ =	shalt  }
0x61: {  	_ =	shalt  }
0x62: {  	_ =	shalt  }
0x63: {  	_ =	shalt  }
0x64: {  	_ =	shalt  }
0x65: {  	_ =	shalt  }
0x66: {  	_ =	shalt  }
0x67: {  	_ =	shalt  }
0x68: {  	_ =	shalt  }
0x69: {  	_ =	shalt  }
0x6a: {  	_ =	shalt  }
0x6b: {  	_ =	shalt  }
0x6c: {  	_ =	shalt  }
0x6d: {  	_ =	shalt  }
0x6e: {  	_ =	shalt  }
0x6f: {  	_ =	shalt  }
0x70: {  	_ =	shalt  }
0x71: {  	_ =	shalt  }
0x72: {  	_ =	shalt  }
0x73: {  	_ =	shalt  }
0x74: {  	_ =	shalt  }
0x75: {  	_ =	shalt  }
0x76: {  	_ =	shalt  }
0x77: {  	_ =	shalt  }
0x78: {  	_ =	shalt  }
0x79: {  	_ =	shalt  }
0x7a: {  	_ =	shalt  }
0x7b: {  	_ =	shalt  }
0x7c: {  	_ =	shalt  }
0x7d: {  	_ =	shalt  }
0x7e: {  	_ =	shalt  }
0x7f: {  	_ =	shalt  }
0x80: {  	_ =	shalt  }
0x81: {  	_ =	shalt  }
0x82: {  	_ =	shalt  }
0x83: {  	_ =	shalt  }
0x84: {  	_ =	shalt  }
0x85: {  	_ =	shalt  }
0x86: {  	_ =	shalt  }
0x87: {  	_ =	shalt  }
.Lfunc_end0:
.L_simem_size_0:
called_computation.1_lowered:
.L_overlay_start_0:
0x88: {  	s2 =	sld [smem:$0x3FD9]  }
0x89: {  	s3 =	sld [smem:$0x3FFE];
	_ =	sdelay $0x1  }
0x8a: {  	s1 =	srdreg.scid  }
0x8b: {  	s0 =	sand.u32 $0x1, s1  }
0x8c: {  	s17 =	sshll.u32 s0, $0xA;
	s2 =	sadd.s32 s3, s2  }
0x8d: {  	s2 =	sadd.s32 s2, s17  }
0x8e: {  	[smem:$0x3FC2] =	sst s2  }
0x8f: {  	_ = 	snop  }
0x90: {  	s2 =	sld [smem:$0x3FD0];
	(tm) =	ssettm $0x1  }
0x91: {  	s18 =	sld [smem:$0x3FFB];
	_ =	sdelay $0x3  }
0x92: {  	_ =	strace s18  }
0x93: {  	s3 =	sld [smem:$0x3FFC];
	_ =	sdelay $0x3  }
0x94: {  	_ =	strace s3  }
0x95: {  	s3 =	sld [smem:$0x3FFD];
	_ =	sdelay $0x3  }
0x96: {  	_ =	strace s3  }
0x97: {  	_ =	strace $0x8FFFFFFF  }
0x98: {  	s19 =	sld [smem:$0x3FDB];
	_ =	sdelay $0x1  }
0x99: {  	s4 =	simm.s32 $_scs_section_size  }
0x9a: {  	s5 =	simm.s32 $_size__tile_overlayer_lowered;
	s6 =	simm.s32 $_tile_overlayer_lowered  }
0x9b: {  	s22 =	simm.s32 $0x1BFF;
	s21 =	sshll.u32 s6, $0x1;
	s3 =	sadd.s32 s4, s19  }
0x9c: {  	s7 =	simm.s32 $0x0;
	s20 =	sshll.u32 s5, $0x1;
	s5 =	sadd.s32 s21, s3  }
0x9d: {  	[timem:s7], [sflag:s22] =	dma.local [hbm:s5], s20  }
0x9e: {  	_ =	swait.ge [sflag:s22], s20  }
0x9f: {  	s4 =	ssub.s32 $0x0, s20;
	[sflag:s22] =	ssyncset.done $0x0  }
0xa0: {  	[sflag:s22] =	ssyncadd.s32 s4;
	_ =	sdelay $0x1  }
0xa1: {  	s23 =	simm.s32 $0x1B8B  }
0xa2: {  	_ =	swait.ge [sflag:s23], $0x1  }
0xa3: {  	[sflag:s23] =	ssyncset.done $0x0  }
0xa4: {  	s25 =	simm.s32 $0x1B8E;
	s24 =	sld [smem:$0x3FFE];
	[sflag:s23] =	ssyncadd.s32 $0xFFFFFFFF  }
0xa5: {  	s26 =	simm.s32 $execute0_lowered;
	[smem:$0x3FD2] =	sst s25  }
0xa6: {  	s5 =	sshll.u32 s26, $0x1;
	_ =	strace $0x80000049;
	[dreg:$0x1] =	wrdreg $0xFFFFFFFF  }
0xa7: {  	s28 =	simm.s32 $_size_execute0_lowered;
	s3 =	sadd.s32 s3, s5;
	[dreg:$0x0] =	wrdreg $0x0  }
0xa8: {  	s5 =	sshll.u32 s28, $0x1;
	[dreg:$0x2] =	wrdreg s3  }
0xa9: {  	[dreg:$0x3] =	wrdreg s5  }
0xaa: {  	[dreg:$0x4] =	wrdreg $0xC0  }
0xab: {  	_ =	task [dreg:s7], $0x5FFFF  }
0xac: {  	[dreg:$0x1] =	wrdreg $0xFFFFFFFF  }
0xad: {  	[dreg:$0x0] =	wrdreg $0x60  }
0xae: {  	[dreg:$0x2] =	wrdreg s24  }
0xaf: {  	[dreg:$0x3] =	wrdreg s2  }
0xb0: {  	[dreg:$0x4] =	wrdreg $0x9  }
0xb1: {  	_ =	task.clear_ibuf [dreg:s7], $0x5FFFF;
	_ =	strace $0x90000049  }
0xb2: {  	s29 =	simm.s32 $0x9;
	_ =	strace $0x8000004B  }
0xb3: {  	_ =	swait.ge [sflag:s29], $0x1  }
0xb4: {  	[sflag:s29] =	ssyncadd.s32 $0xFFFFFFFF  }
0xb5: {  	_ =	strace $0x9000004B  }
0xb6: {  	_ =	sfence  }
0xb7: {  	s30 =	sld [smem:$0x0];
	_ =	sdelay $0x2  }
0xb8: {  	s31 =	sshll.u32 s1, $0xD;
	s1 =	sshrl.u32 s1, $0x2  }
0xb9: {  	s3 =	sand.u32 $0x4000, s31;
	s1 =	sadd.s32 s1, s30  }
0xba: {  	s0 =	sor.u32 s3, s0;
	s1 =	sshll.u32 s1, $0x11  }
0xbb: {  	s0 =	sor.u32 s1, s0  }
0xbc: {  	s0 =	sadd.s32 $0x8F2B, s0  }
0xbd: {  	[sflag:s0] =	ssyncadd.remote.s32 $0x1  }
0xbe: {  	_ =	sfence.sel $0xFFFF  }
0xbf: {  	[dreg:$0x0] =	wrdreg $0xFFFFFFFF;
	(pc) =	sbr.abs _section_cstart, $3  }
0xc0: {  	[dreg:$0x1] =	wrdreg $0xFFFFFFFF  }
0xc1: {  	_ =	task.clear_ibuf [dreg:s7], $0x2FFFF;
	_ =	strace $0x9FFFFFFF  }
0xc2: {  	(tm) =	ssettm $0x7FFFFFFF  }
0xc3: {  	_ =	shalt  }
tec
execute0_lowered:
.L_overlay_start_1:
0x0: {  	(tag) =	ssettag $0x1  }
0x1: {  	s1 =	srdreg.scid  }
0x2: {  	s9 =	rddreg [dreg:$0x0];
	s0 =	stileid.u32;
	s13 =	sand.u32 $0x1, s1  }
0x3: {  	s15 =	rddreg [dreg:$0x1];
	s3 =	sshll.u32 s0, $0x2;
	s4 =	sshll.u32 s13, $0x1  }
0x4: {  	s2 =	simm.s32 $0x0;
	s1 =	rddreg [dreg:$0x2];
	s16 =	sor.u32 s4, s3  }
0x5: {  	[smem:$0x7FF] =	sst s2;
	s3 =	sadd.s32 s16, s9  }
0x6: {  	_ =	strace $0x8000004A;
	s4 =	sadd.s32 $0x1800, s3;
	s3 =	simm.s32 $0x2  }
0x7: {  	[tilespmem:s2], [sflag:$0x2] =	stream.linear.gather [hbm4b:s4+s2], $0x10, $0x38;
	[tilespmem:$0x3080] =	vst v63  }
0x8: {  	_ =	swait.ge [sflag:s3], $0x10  }
0x9: {  	[sflag:s3] =	ssyncset.done $0x0  }
0xa: {  	[sflag:s3] =	ssyncadd.s32 $0xFFFFFFF0  }
0xb: {  	v0 =	vld [tilespmem:$0x0];
	_ =	sdelay $0x4  }
0xc: {  	v1 =	vshrl.u32 v0, $0x3  }
0xd: {  	v1 =	vmul.u32 $0x30, v1  }
0xe: {  	v2 =	vlaneseq.u32;
	v3 =	vand.u32 $0x7, v0  }
0xf: {  	v4 =	vshrl.u32 v2, $0x3;
	v0 =	vand.u32 $0x7, v2;
	v3 =	vor.u32 v3, v1  }
0x10: {  	v1 =	vmul.u32 $0x8, v4;
	v63 =	vperm.xlane v3, v0;
	_ =	sdelay $0x1  }
0x11: {  	v4 =	vadd.s32 v1, v63;
	_ =	sdelay $0x2  }
0x12: {  	v2 =	vor.u32 $0x8, v2  }
0x13: {  	vm0 =	vmmov $0xffff;
	s6 =	simm.s32 $0x80;
	s5 =	sadd.s32 $0x1A00, s9;
	v3 =	vperm.xlane v3, v2  }
0x14: {  	[tilespmem:s6], [sflag:$0x1] =	stream.indirect_vreg.gather [hbm4b:s5+s2], $0x80, v4, vm0, $0xb8;
	[tilespmem:$0x3080] =	vst v63  }
0x15: {  	s8 =	simm.s32 $0x880;
	s7 =	sadd.s32 $0x1B00, s9;
	v3 =	vadd.s32 v1, v3  }
0x16: {  	[tilespmem:s8], [sflag:$0x1] =	stream.indirect_vreg.gather [hbm4b:s7+s2], $0x80, v4, vm0, $0xb8;
	[tilespmem:$0x3080] =	vst v63  }
0x17: {  	s10 =	simm.s32 $0x1080;
	s17 =	ssub.s32 $0x2, s13;
	s9 =	sadd.s32 $0x1C00, s9  }
0x18: {  	[tilespmem:s10], [sflag:$0x1] =	stream.indirect_vreg.gather [hbm4b:s9+s2], $0x80, v4, vm0, $0xb8;
	[tilespmem:$0x3080] =	vst v63  }
0x19: {  	s11 =	simm.s32 $0x1880;
	s18 =	sshrl.u32 s17, $0x1  }
0x1a: {  	[tilespmem:s11], [sflag:$0x1] =	stream.indirect_vreg.gather [hbm4b:s5+s2], $0x80, v3, vm0, $0xb8;
	[tilespmem:$0x3080] =	vst v63  }
0x1b: {  	s12 =	simm.s32 $0x2080;
	s17 =	ssub.s32 s17, s18  }
0x1c: {  	[tilespmem:s12], [sflag:$0x1] =	stream.indirect_vreg.gather [hbm4b:s7+s2], $0x80, v3, vm0, $0xb8;
	[tilespmem:$0x3080] =	vst v63  }
0x1d: {  	s14 =	simm.s32 $0x1;
	s13 =	simm.s32 $0x2880;
	s31 =	smax.u32 s17, $0x1  }
0x1e: {  	[tilespmem:s13], [sflag:$0x1] =	stream.indirect_vreg.gather [hbm4b:s9+s2], $0x80, v3, vm0, $0xb8;
	[tilespmem:$0x3080] =	vst v63  }
0x1f: {  	s16 =	smul.u32 $0x300, s16;
	p0 =	sne.s32 s31, $0x1;
	_ =	swait.ge [sflag:s14], $0x3000  }
.Ltmp0:
0x20: {  	[sflag:s14] =	ssyncset.done $0x0;
	(pc) =	sbr.rel @!p0 .LBB2_2-.Ltmp0, $4  }
0x21: {  	s15 =	sadd.s32 s15, s16;
	[sflag:s14] =	ssyncadd.s32 $0xFFFFD000  }
0x22: {  	[hbm4b:s15+s2] =	stream.linear.scatter [tilespmem:s6], [sflag:$0x2], $0x3000, $0x38;
	[tilespmem:$0x3080] =	vst v63  }
0x23: {  	_ =	swait.ge [sflag:s3], $0x3000  }
0x24: {  	s16 =	sadd.s32 $0xFFFFFFFF, s31;
	[sflag:s3] =	ssyncset.done $0x0  }
.LBB2_1:
0x25: {  	p0 =	sne.s32 s16, $0x1;
	s16 =	sadd.s32 $0xFFFFFFFF, s16;
	[sflag:s3] =	ssyncadd.s32 $0xFFFFD000  }
0x26: {  	[tilespmem:s2], [sflag:$0x2] =	stream.linear.gather [hbm4b:s4+s2], $0x10, $0x38;
	[tilespmem:$0x3080] =	vst v63  }
0x27: {  	_ =	swait.ge [sflag:s3], $0x10  }
0x28: {  	[sflag:s3] =	ssyncset.done $0x0  }
0x29: {  	[sflag:s3] =	ssyncadd.s32 $0xFFFFFFF0  }
0x2a: {  	v3 =	vld [tilespmem:$0x0];
	_ =	sdelay $0x4  }
0x2b: {  	v4 =	vshrl.u32 v3, $0x3  }
0x2c: {  	v4 =	vmul.u32 $0x30, v4  }
0x2d: {  	v3 =	vand.u32 $0x7, v3  }
0x2e: {  	v3 =	vor.u32 v3, v4  }
0x2f: {  	v4 =	vperm.xlane v3, v0;
	v3 =	vperm.xlane v3, v2;
	_ =	sdelay $0x1  }
0x30: {  	v4 =	vadd.s32 v1, v4;
	_ =	sdelay $0x4  }
0x31: {  	[tilespmem:s6], [sflag:$0x1] =	stream.indirect_vreg.gather [hbm4b:s5+s2], $0x80, v4, vm0, $0xb8;
	[tilespmem:$0x3080] =	vst v63  }
0x32: {  	v3 =	vadd.s32 v1, v3  }
0x33: {  	[tilespmem:s8], [sflag:$0x1] =	stream.indirect_vreg.gather [hbm4b:s7+s2], $0x80, v4, vm0, $0xb8;
	[tilespmem:$0x3080] =	vst v63  }
0x34: {  	_ = 	snop  }
0x35: {  	[tilespmem:s10], [sflag:$0x1] =	stream.indirect_vreg.gather [hbm4b:s9+s2], $0x80, v4, vm0, $0xb8;
	[tilespmem:$0x3080] =	vst v63  }
0x36: {  	_ = 	snop  }
0x37: {  	[tilespmem:s11], [sflag:$0x1] =	stream.indirect_vreg.gather [hbm4b:s5+s2], $0x80, v3, vm0, $0xb8;
	[tilespmem:$0x3080] =	vst v63  }
0x38: {  	_ = 	snop  }
0x39: {  	[tilespmem:s12], [sflag:$0x1] =	stream.indirect_vreg.gather [hbm4b:s7+s2], $0x80, v3, vm0, $0xb8;
	[tilespmem:$0x3080] =	vst v63  }
0x3a: {  	_ = 	snop  }
0x3b: {  	[tilespmem:s13], [sflag:$0x1] =	stream.indirect_vreg.gather [hbm4b:s9+s2], $0x80, v3, vm0, $0xb8;
	[tilespmem:$0x3080] =	vst v63  }
0x3c: {  	_ =	swait.ge [sflag:s14], $0x3000  }
.Ltmp1:
0x3d: {  	[sflag:s14] =	ssyncset.done $0x0;
	(pc) =	sbr.rel @p0 .LBB2_1-.Ltmp1, $4  }
0x3e: {  	[sflag:s14] =	ssyncadd.s32 $0xFFFFD000  }
0x3f: {  	[hbm4b:s15+s2] =	stream.linear.scatter [tilespmem:s6], [sflag:$0x2], $0x3000, $0x38;
	[tilespmem:$0x3080] =	vst v63  }
0x40: {  	_ =	swait.ge [sflag:s3], $0x3000  }
0x41: {  	[sflag:s3] =	ssyncset.done $0x0  }
.LBB2_2:
0x42: {  	[sflag:s3] =	ssyncadd.s32 $0xFFFFD000  }
0x43: {  	_ =	sfence.sel $0x180000  }
0x44: {  	[bflag:$0x0] =	sbarrier.arrive $0xFFFF  }
0x45: {  	p0 =	sne.s32 s0, $0x0;
	_ =	strace $0x9000004A  }
0x46: {  	s0 =	sadd.s32 @!p0 $0x100000, s1;
	[bflag:$0x2] =	sbarrier.arrive $0xFFFF  }
0x47: {  	[sflag:s0] =	ssyncadd.tile.s32 @!p0 $0x1;
	_ =	shalt  }
.Lfunc_end2:
_tile_overlayer_lowered:
.L_overlay_start_2:
0x48: {  	(tag) =	ssettag $0x2  }
0x49: {  	s0 =	rddreg [dreg:$0x0];
	s2 =	stileid.u32  }
0x4a: {  	s1 =	rddreg [dreg:$0x1];
	p0 =	sne.s32 s2, $0x0  }
0x4b: {  	s3 =	rddreg [dreg:$0x2];
	[bflag:$0x3] =	sbarrier.arrive $0xFFFF;
	s2 =	simm.s32 @!p0 $0x1C02  }
0x4c: {  	[timem:s3], [sflag:s2] =	dma.local @!p0 [hbm:s0], s1  }
0x4d: {  	s0 =	simm.s32 @!p0 $0x2  }
0x4e: {  	_ =	swait.ge @!p0 [sflag:s0], s1  }
0x4f: {  	s1 =	ssub.s32 @!p0 $0x0, s1;
	[sflag:s0] =	ssyncset.done @!p0 $0x0  }
0x50: {  	[sflag:s0] =	ssyncadd.s32 @!p0 s1  }
0x51: {  	[bflag:$0x3] =	sbarrier.arrive $0xFFFF  }
0x52: {  	_ =	shalt  }

</sc_bundles>
